<compile_context>
chip_gen: v7x
topology: tpu7x:2x2x1
jax: 0.10.2.dev20260603
libtpu: 0.0.44.dev20260713+nightly
codegen_flags: <defaults>
</compile_context>

<pallas_src>
import functools

import jax
import jax.numpy as jnp
from jax import lax
from jax.experimental import pallas as pl
from jax.experimental.pallas import tpu as pltpu
from jax.experimental.pallas import tpu_sc as plsc

_LANES = 128
_PB = 4
_TC = 256
_TBLK = 4096


def _pad_body(x_ref, o_ref):
    S = x_ref.shape[1]
    z = jnp.zeros((x_ref.shape[0], _LANES - S), jnp.int32)
    v = x_ref[...]
    o_ref[...] = jnp.concatenate([v + v, z], axis=1)


def _pad_x(x):
    Bt, S = x.shape
    BLK = 2048
    return pl.pallas_call(
        _pad_body,
        grid=(Bt // BLK,),
        in_specs=[pl.BlockSpec((BLK, S), lambda i: (i, 0))],
        out_specs=pl.BlockSpec((BLK, _LANES), lambda i: (i, 0)),
        out_shape=jax.ShapeDtypeStruct((Bt, _LANES), jnp.int32),
    )(x)


def _tt_body(i_ref, at_ref, o_ref):
    D = at_ref.shape[0]
    ident = i_ref[...]
    z = jnp.zeros((_TC, _LANES - D), jnp.float32)
    for j in range(_TBLK // _TC):
        sl = at_ref[:, j * _TC:(j + 1) * _TC]
        tj = lax.dot_general(
            ident, sl, (((1,), (1,)), ((), ())),
            preferred_element_type=jnp.float32,
        )
        o_ref[pl.ds(j * _TC, _TC), pl.ds(0, D)] = tj
        o_ref[pl.ds(j * _TC, _TC), pl.ds(D, _LANES - D)] = z


def _tt_transpose(tableT):
    D, V = tableT.shape
    nblk = -(-V // _TBLK)
    M2 = nblk * _TBLK
    ident = jnp.eye(_TC, dtype=jnp.float32)
    return pl.pallas_call(
        _tt_body,
        grid=(nblk,),
        in_specs=[
            pl.BlockSpec((_TC, _TC), lambda i: (0, 0)),
            pl.BlockSpec((D, _TBLK), lambda i: (0, i)),
        ],
        out_specs=pl.BlockSpec((_TBLK, _LANES), lambda i: (i, 0)),
        out_shape=jax.ShapeDtypeStruct((M2, _LANES), jnp.float32),
    )(ident, tableT)


def _sc_gather(ttv, x2pad, Bt, SP, D):
    info = plsc.get_sparse_core_info()
    NC, NS = info.num_cores, info.num_subcores
    NW = NC * NS
    assert Bt % NW == 0
    b_per_w = Bt // NW
    PB = 8
    n_super = b_per_w // PB
    SUPER = PB * SP

    mesh = plsc.VectorSubcoreMesh(core_axis_name="c", subcore_axis_name="s")

    @functools.partial(
        pl.kernel,
        mesh=mesh,
        compiler_params=pltpu.CompilerParams(use_tc_tiling_on_sc=False),
        out_type=jax.ShapeDtypeStruct((Bt * SP, D), jnp.float32),
        scratch_types=[
            pltpu.VMEM((b_per_w, _LANES), jnp.int32),
            pltpu.VMEM((SUPER, D), jnp.float32),
            pltpu.SemaphoreType.DMA,
        ],
    )
    def k(tt_hbm, x_hbm, out_hbm, idx_v, rows_v, gsem):
        wid = lax.axis_index("s") * NC + lax.axis_index("c")
        wbase = wid * b_per_w
        pltpu.sync_copy(x_hbm.at[pl.ds(wbase, b_per_w)], idx_v)

        def body(sc, carry):
            descs = []
            for bb in range(PB):
                d = pltpu.async_copy(
                    tt_hbm.at[idx_v.at[sc * PB + bb, pl.ds(0, SP)]],
                    rows_v.at[pl.ds(bb * SP, SP)],
                    gsem,
                )
                descs.append(d)
            for d in descs:
                d.wait()
            pltpu.sync_copy(
                rows_v,
                out_hbm.at[pl.ds((wbase + sc * PB) * SP, SUPER)],
            )
            return carry

        lax.fori_loop(0, n_super, body, 0)

    return k(ttv, x2pad)


_SQRT_HALF = 0.7071067811865476


def _make_adapter_body(BB, S, D, SP):
    def body(x_ref, w_ref, b_ref, o_ref):
        v3 = x_ref[...]
        w2 = w_ref[...]
        bcol = b_ref[...]
        for j in range(S // 2):
            e2 = v3[:, j]
            h2 = lax.dot_general(
                w2, e2, (((1,), (1,)), ((), ())),
                preferred_element_type=jnp.float32,
            )
            h2 = h2 + bcol
            g = h2 * 0.5 * (1.0 + lax.erf(h2 * _SQRT_HALF))
            o_ref[2 * j] = g[:D]
            o_ref[2 * j + 1] = g[D:]

    return body


def _tc_adapter(G3, W2, bcol, Bt, S, D, SP):
    BB = 128
    assert Bt % BB == 0 and S % 2 == 0
    return pl.pallas_call(
        _make_adapter_body(BB, S, D, SP),
        grid=(Bt // BB,),
        in_specs=[
            pl.BlockSpec((BB, SP // 2, _LANES), lambda i: (i, 0, 0)),
            pl.BlockSpec((_LANES, _LANES), lambda i: (0, 0)),
            pl.BlockSpec((_LANES, 1), lambda i: (0, 0)),
        ],
        out_specs=pl.BlockSpec((S, D, BB), lambda i: (0, 0, i)),
        out_shape=jax.ShapeDtypeStruct((S, D, Bt), jnp.float32),
    )(G3, W2, bcol)


def kernel(x, table, W, b):
    Bt, S = x.shape
    V, D = table.shape
    SP = 64
    xpad = _pad_x(x.astype(jnp.int32))
    tt = _tt_transpose(table.T)
    ttv = tt.reshape(tt.shape[0] * 2, D)
    G = _sc_gather(ttv, xpad, Bt, SP, D)
    G3 = G.reshape(Bt, SP // 2, 2 * D)
    W2 = (
        jnp.zeros((_LANES, _LANES), jnp.float32)
        .at[:D, :D].set(W)
        .at[D:, D:].set(W)
    )
    bcol = jnp.concatenate([b, b]).reshape(_LANES, 1)
    outT = _tc_adapter(G3, W2, bcol, Bt, S, D, SP)
    return jnp.transpose(outT, (2, 0, 1))

# --- scband reference (transcript-rebuilt; emitter-appended) ---
"""Pipeline reference for scband-word2-vec-embedding-36000415875193 (READ-ONLY COPY).

The authoritative reference and input builder live on the scoring server;
editing this copy changes nothing except your own understanding.
"""

import jax, jax.numpy as jnp
import numpy as np

VOCAB = 1000000
EMB = 64
BATCH = 16384
SEQ = 50


def setup_inputs(seed: int = 0) -> dict:
    key = jax.random.key(seed)
    k1, k2, k3, k4 = jax.random.split(key, 4)
    x = jax.random.randint(k1, (BATCH, SEQ), 0, VOCAB, dtype=jnp.int64 if jax.config.jax_enable_x64 else jnp.int32)
    # pretrained (frozen) embedding table; pad row (id 0) zeroed like pad_id in the torch module
    table = jax.random.normal(k2, (VOCAB, EMB), dtype=jnp.float32) * 0.1
    table = table.at[0].set(0.0)
    # adapter Linear(EMB, EMB): weight [out, in] torch convention, bias [out]
    W = jax.random.normal(k3, (EMB, EMB), dtype=jnp.float32) * (1.0 / np.sqrt(EMB))
    b = jax.random.normal(k4, (EMB,), dtype=jnp.float32) * 0.01
    return {"x": x, "table": table, "W": W, "b": b}


def reference(x, table, W, b):
    # x = self.embedding(x)
    emb = jnp.take(table, x, axis=0)            # [B, S, EMB] gather
    # x = self.adapter(x)  (torch Linear: y = x @ W.T + b)
    h = emb @ W.T + b
    # x = F.gelu(x)  (exact erf gelu, torch default)
    return jax.nn.gelu(h, approximate=False)

if __name__ == "__main__":
    import jax
    _d = setup_inputs()
    print(jax.jit(kernel)(*tuple(_d.values())))

</pallas_src>

<mosaic_0001>
#map = affine_map<(d0, d1) -> (0, 0)>
module attributes {stable_mosaic.version = 14 : i64} {
  func.func @k(%arg0: i32, %arg1: i32, %arg2: memref<2007040x64xf32, #tpu.memory_space<hbm>>, %arg3: memref<16384x128xi32, #tpu.memory_space<hbm>>, %arg4: memref<1048576x64xf32, #tpu.memory_space<hbm>>, %arg5: memref<512x128xi32, #tpu.memory_space<vmem>>, %arg6: memref<512x64xf32, #tpu.memory_space<vmem>>, %arg7: memref<!tpu.dma_semaphore, #tpu.memory_space<semaphore_mem>>) attributes {dimension_semantics = [#tpu.dimension_semantics<core_parallel>, #tpu.dimension_semantics<subcore_parallel>], iteration_bounds = array<i64: 2, 16>, scalar_prefetch = 0 : i64, scratch_operands = 3 : i64, tpu.core_type = #tpu.core_type<sc_vector_subcore>, window_params = [{transform_indices = #map}, {transform_indices = #map}, {transform_indices = #map}]} {
    %mul3A = arith.constant 2 : i32
    %mul3A_0 = arith.muli %arg1, %mul3A : i32
    %add3A = arith.addi %mul3A_0, %arg0 : i32
    %mul3A_1 = arith.constant 512 : i32
    %mul3A_2 = arith.muli %add3A, %mul3A_1 : i32
    "tpu.region"() ({
      %run_scoped3A = tpu.sem_alloc : memref<!tpu.dma_semaphore, #tpu.memory_space<semaphore_mem>>
      %dma_start3A = arith.constant 0 : i32
      %dma_start3A_8 = tpu.memref_slice %arg3[%mul3A_2, %dma_start3A] : memref<16384x128xi32, #tpu.memory_space<hbm>> -> memref<512x128xi32, #tpu.memory_space<hbm>>
      %dma_start3A_9 = arith.constant 0 : i32
      %dma_start3A_10 = tpu.memref_slice %arg3[%mul3A_2, %dma_start3A_9] : memref<16384x128xi32, #tpu.memory_space<hbm>> -> memref<512x128xi32, #tpu.memory_space<hbm>>
      tpu.enqueue_dma source(%dma_start3A_10 : memref<512x128xi32, #tpu.memory_space<hbm>>) target(%arg5 : memref<512x128xi32, #tpu.memory_space<vmem>>) target_semaphore(%run_scoped3A : memref<!tpu.dma_semaphore, #tpu.memory_space<semaphore_mem>>)
      %dma_wait3A = arith.constant 0 : i32
      %dma_wait3A_11 = tpu.memref_slice %arg3[%mul3A_2, %dma_wait3A] : memref<16384x128xi32, #tpu.memory_space<hbm>> -> memref<512x128xi32, #tpu.memory_space<hbm>>
      %dma_wait3A_12 = arith.constant 0 : i32
      %dma_wait3A_13 = tpu.memref_slice %arg3[%mul3A_2, %dma_wait3A_12] : memref<16384x128xi32, #tpu.memory_space<hbm>> -> memref<512x128xi32, #tpu.memory_space<hbm>>
      tpu.wait_dma2 semaphore(%run_scoped3A : memref<!tpu.dma_semaphore, #tpu.memory_space<semaphore_mem>>) src(%dma_wait3A_13 : memref<512x128xi32, #tpu.memory_space<hbm>>) dst(%arg5 : memref<512x128xi32, #tpu.memory_space<vmem>>)
      tpu.yield
    }) : () -> ()
    %scan3A = arith.constant 0 : i32
    %scan3A_3 = arith.constant 0 : i32
    %scan3A_4 = arith.constant 64 : i32
    %scan3A_5 = arith.addi %scan3A_3, %scan3A_4 : i32
    %scan3A_6 = arith.constant 1 : i32
    scf.for %scan3A_8 = %scan3A_3 to %scan3A_5 step %scan3A_6  : i32 {
      %mul3A_9 = arith.constant 8 : i32
      %mul3A_10 = arith.muli %scan3A_8, %mul3A_9 : i32
      %add3A_11 = arith.constant 0 : i32
      %add3A_12 = arith.addi %mul3A_10, %add3A_11 : i32
      %dma_start3A = arith.constant 0 : i32
      %dma_start3A_13 = arith.constant 0 : i32
      %dma_start3A_14 = tpu.memref_slice %arg6[%dma_start3A, %dma_start3A_13] : memref<512x64xf32, #tpu.memory_space<vmem>> -> memref<64x64xf32, #tpu.memory_space<vmem>>
      %dma_start3A_15 = arith.constant 0 : i32
      %dma_start3A_16 = tpu.memref_slice %arg5[%add3A_12, %dma_start3A_15] : memref<512x128xi32, #tpu.memory_space<vmem>> -> memref<1x64xi32, #tpu.memory_space<vmem>>
      %dma_start3A_17 = tpu.memref_squeeze %dma_start3A_16 : memref<1x64xi32, #tpu.memory_space<vmem>> -> memref<64xi32, #tpu.memory_space<vmem>>
      %dma_start3A_18 = arith.constant 0 : i32
      %dma_start3A_19 = arith.constant 0 : i32
      %dma_start3A_20 = tpu.memref_slice %arg2[%dma_start3A_18, %dma_start3A_19] : memref<2007040x64xf32, #tpu.memory_space<hbm>> -> memref<2007040x64xf32, #tpu.memory_space<hbm>>
      tpu.enqueue_indirect_dma source(%dma_start3A_20 : memref<2007040x64xf32, #tpu.memory_space<hbm>>) target(%dma_start3A_14 : memref<64x64xf32, #tpu.memory_space<vmem>>) offsets(%dma_start3A_17 : memref<64xi32, #tpu.memory_space<vmem>>) semaphore(%arg7 : memref<!tpu.dma_semaphore, #tpu.memory_space<semaphore_mem>>)
      %mul3A_21 = arith.constant 8 : i32
      %mul3A_22 = arith.muli %scan3A_8, %mul3A_21 : i32
      %add3A_23 = arith.constant 1 : i32
      %add3A_24 = arith.addi %mul3A_22, %add3A_23 : i32
      %dma_start3A_25 = arith.constant 64 : i32
      %dma_start3A_26 = arith.constant 0 : i32
      %dma_start3A_27 = tpu.memref_slice %arg6[%dma_start3A_25, %dma_start3A_26] : memref<512x64xf32, #tpu.memory_space<vmem>> -> memref<64x64xf32, #tpu.memory_space<vmem>>
      %dma_start3A_28 = arith.constant 0 : i32
      %dma_start3A_29 = tpu.memref_slice %arg5[%add3A_24, %dma_start3A_28] : memref<512x128xi32, #tpu.memory_space<vmem>> -> memref<1x64xi32, #tpu.memory_space<vmem>>
      %dma_start3A_30 = tpu.memref_squeeze %dma_start3A_29 : memref<1x64xi32, #tpu.memory_space<vmem>> -> memref<64xi32, #tpu.memory_space<vmem>>
      %dma_start3A_31 = arith.constant 0 : i32
      %dma_start3A_32 = arith.constant 0 : i32
      %dma_start3A_33 = tpu.memref_slice %arg2[%dma_start3A_31, %dma_start3A_32] : memref<2007040x64xf32, #tpu.memory_space<hbm>> -> memref<2007040x64xf32, #tpu.memory_space<hbm>>
      tpu.enqueue_indirect_dma source(%dma_start3A_33 : memref<2007040x64xf32, #tpu.memory_space<hbm>>) target(%dma_start3A_27 : memref<64x64xf32, #tpu.memory_space<vmem>>) offsets(%dma_start3A_30 : memref<64xi32, #tpu.memory_space<vmem>>) semaphore(%arg7 : memref<!tpu.dma_semaphore, #tpu.memory_space<semaphore_mem>>)
      %mul3A_34 = arith.constant 8 : i32
      %mul3A_35 = arith.muli %scan3A_8, %mul3A_34 : i32
      %add3A_36 = arith.constant 2 : i32
      %add3A_37 = arith.addi %mul3A_35, %add3A_36 : i32
      %dma_start3A_38 = arith.constant 128 : i32
      %dma_start3A_39 = arith.constant 0 : i32
      %dma_start3A_40 = tpu.memref_slice %arg6[%dma_start3A_38, %dma_start3A_39] : memref<512x64xf32, #tpu.memory_space<vmem>> -> memref<64x64xf32, #tpu.memory_space<vmem>>
      %dma_start3A_41 = arith.constant 0 : i32
      %dma_start3A_42 = tpu.memref_slice %arg5[%add3A_37, %dma_start3A_41] : memref<512x128xi32, #tpu.memory_space<vmem>> -> memref<1x64xi32, #tpu.memory_space<vmem>>
      %dma_start3A_43 = tpu.memref_squeeze %dma_start3A_42 : memref<1x64xi32, #tpu.memory_space<vmem>> -> memref<64xi32, #tpu.memory_space<vmem>>
      %dma_start3A_44 = arith.constant 0 : i32
      %dma_start3A_45 = arith.constant 0 : i32
      %dma_start3A_46 = tpu.memref_slice %arg2[%dma_start3A_44, %dma_start3A_45] : memref<2007040x64xf32, #tpu.memory_space<hbm>> -> memref<2007040x64xf32, #tpu.memory_space<hbm>>
      tpu.enqueue_indirect_dma source(%dma_start3A_46 : memref<2007040x64xf32, #tpu.memory_space<hbm>>) target(%dma_start3A_40 : memref<64x64xf32, #tpu.memory_space<vmem>>) offsets(%dma_start3A_43 : memref<64xi32, #tpu.memory_space<vmem>>) semaphore(%arg7 : memref<!tpu.dma_semaphore, #tpu.memory_space<semaphore_mem>>)
      %mul3A_47 = arith.constant 8 : i32
      %mul3A_48 = arith.muli %scan3A_8, %mul3A_47 : i32
      %add3A_49 = arith.constant 3 : i32
      %add3A_50 = arith.addi %mul3A_48, %add3A_49 : i32
      %dma_start3A_51 = arith.constant 192 : i32
      %dma_start3A_52 = arith.constant 0 : i32
      %dma_start3A_53 = tpu.memref_slice %arg6[%dma_start3A_51, %dma_start3A_52] : memref<512x64xf32, #tpu.memory_space<vmem>> -> memref<64x64xf32, #tpu.memory_space<vmem>>
      %dma_start3A_54 = arith.constant 0 : i32
      %dma_start3A_55 = tpu.memref_slice %arg5[%add3A_50, %dma_start3A_54] : memref<512x128xi32, #tpu.memory_space<vmem>> -> memref<1x64xi32, #tpu.memory_space<vmem>>
      %dma_start3A_56 = tpu.memref_squeeze %dma_start3A_55 : memref<1x64xi32, #tpu.memory_space<vmem>> -> memref<64xi32, #tpu.memory_space<vmem>>
      %dma_start3A_57 = arith.constant 0 : i32
      %dma_start3A_58 = arith.constant 0 : i32
      %dma_start3A_59 = tpu.memref_slice %arg2[%dma_start3A_57, %dma_start3A_58] : memref<2007040x64xf32, #tpu.memory_space<hbm>> -> memref<2007040x64xf32, #tpu.memory_space<hbm>>
      tpu.enqueue_indirect_dma source(%dma_start3A_59 : memref<2007040x64xf32, #tpu.memory_space<hbm>>) target(%dma_start3A_53 : memref<64x64xf32, #tpu.memory_space<vmem>>) offsets(%dma_start3A_56 : memref<64xi32, #tpu.memory_space<vmem>>) semaphore(%arg7 : memref<!tpu.dma_semaphore, #tpu.memory_space<semaphore_mem>>)
      %mul3A_60 = arith.constant 8 : i32
      %mul3A_61 = arith.muli %scan3A_8, %mul3A_60 : i32
      %add3A_62 = arith.constant 4 : i32
      %add3A_63 = arith.addi %mul3A_61, %add3A_62 : i32
      %dma_start3A_64 = arith.constant 256 : i32
      %dma_start3A_65 = arith.constant 0 : i32
      %dma_start3A_66 = tpu.memref_slice %arg6[%dma_start3A_64, %dma_start3A_65] : memref<512x64xf32, #tpu.memory_space<vmem>> -> memref<64x64xf32, #tpu.memory_space<vmem>>
      %dma_start3A_67 = arith.constant 0 : i32
      %dma_start3A_68 = tpu.memref_slice %arg5[%add3A_63, %dma_start3A_67] : memref<512x128xi32, #tpu.memory_space<vmem>> -> memref<1x64xi32, #tpu.memory_space<vmem>>
      %dma_start3A_69 = tpu.memref_squeeze %dma_start3A_68 : memref<1x64xi32, #tpu.memory_space<vmem>> -> memref<64xi32, #tpu.memory_space<vmem>>
      %dma_start3A_70 = arith.constant 0 : i32
      %dma_start3A_71 = arith.constant 0 : i32
      %dma_start3A_72 = tpu.memref_slice %arg2[%dma_start3A_70, %dma_start3A_71] : memref<2007040x64xf32, #tpu.memory_space<hbm>> -> memref<2007040x64xf32, #tpu.memory_space<hbm>>
      tpu.enqueue_indirect_dma source(%dma_start3A_72 : memref<2007040x64xf32, #tpu.memory_space<hbm>>) target(%dma_start3A_66 : memref<64x64xf32, #tpu.memory_space<vmem>>) offsets(%dma_start3A_69 : memref<64xi32, #tpu.memory_space<vmem>>) semaphore(%arg7 : memref<!tpu.dma_semaphore, #tpu.memory_space<semaphore_mem>>)
      %mul3A_73 = arith.constant 8 : i32
      %mul3A_74 = arith.muli %scan3A_8, %mul3A_73 : i32
      %add3A_75 = arith.constant 5 : i32
      %add3A_76 = arith.addi %mul3A_74, %add3A_75 : i32
      %dma_start3A_77 = arith.constant 320 : i32
      %dma_start3A_78 = arith.constant 0 : i32
      %dma_start3A_79 = tpu.memref_slice %arg6[%dma_start3A_77, %dma_start3A_78] : memref<512x64xf32, #tpu.memory_space<vmem>> -> memref<64x64xf32, #tpu.memory_space<vmem>>
      %dma_start3A_80 = arith.constant 0 : i32
      %dma_start3A_81 = tpu.memref_slice %arg5[%add3A_76, %dma_start3A_80] : memref<512x128xi32, #tpu.memory_space<vmem>> -> memref<1x64xi32, #tpu.memory_space<vmem>>
      %dma_start3A_82 = tpu.memref_squeeze %dma_start3A_81 : memref<1x64xi32, #tpu.memory_space<vmem>> -> memref<64xi32, #tpu.memory_space<vmem>>
      %dma_start3A_83 = arith.constant 0 : i32
      %dma_start3A_84 = arith.constant 0 : i32
      %dma_start3A_85 = tpu.memref_slice %arg2[%dma_start3A_83, %dma_start3A_84] : memref<2007040x64xf32, #tpu.memory_space<hbm>> -> memref<2007040x64xf32, #tpu.memory_space<hbm>>
      tpu.enqueue_indirect_dma source(%dma_start3A_85 : memref<2007040x64xf32, #tpu.memory_space<hbm>>) target(%dma_start3A_79 : memref<64x64xf32, #tpu.memory_space<vmem>>) offsets(%dma_start3A_82 : memref<64xi32, #tpu.memory_space<vmem>>) semaphore(%arg7 : memref<!tpu.dma_semaphore, #tpu.memory_space<semaphore_mem>>)
      %mul3A_86 = arith.constant 8 : i32
      %mul3A_87 = arith.muli %scan3A_8, %mul3A_86 : i32
      %add3A_88 = arith.constant 6 : i32
      %add3A_89 = arith.addi %mul3A_87, %add3A_88 : i32
      %dma_start3A_90 = arith.constant 384 : i32
      %dma_start3A_91 = arith.constant 0 : i32
      %dma_start3A_92 = tpu.memref_slice %arg6[%dma_start3A_90, %dma_start3A_91] : memref<512x64xf32, #tpu.memory_space<vmem>> -> memref<64x64xf32, #tpu.memory_space<vmem>>
      %dma_start3A_93 = arith.constant 0 : i32
      %dma_start3A_94 = tpu.memref_slice %arg5[%add3A_89, %dma_start3A_93] : memref<512x128xi32, #tpu.memory_space<vmem>> -> memref<1x64xi32, #tpu.memory_space<vmem>>
      %dma_start3A_95 = tpu.memref_squeeze %dma_start3A_94 : memref<1x64xi32, #tpu.memory_space<vmem>> -> memref<64xi32, #tpu.memory_space<vmem>>
      %dma_start3A_96 = arith.constant 0 : i32
      %dma_start3A_97 = arith.constant 0 : i32
      %dma_start3A_98 = tpu.memref_slice %arg2[%dma_start3A_96, %dma_start3A_97] : memref<2007040x64xf32, #tpu.memory_space<hbm>> -> memref<2007040x64xf32, #tpu.memory_space<hbm>>
      tpu.enqueue_indirect_dma source(%dma_start3A_98 : memref<2007040x64xf32, #tpu.memory_space<hbm>>) target(%dma_start3A_92 : memref<64x64xf32, #tpu.memory_space<vmem>>) offsets(%dma_start3A_95 : memref<64xi32, #tpu.memory_space<vmem>>) semaphore(%arg7 : memref<!tpu.dma_semaphore, #tpu.memory_space<semaphore_mem>>)
      %mul3A_99 = arith.constant 8 : i32
      %mul3A_100 = arith.muli %scan3A_8, %mul3A_99 : i32
      %add3A_101 = arith.constant 7 : i32
      %add3A_102 = arith.addi %mul3A_100, %add3A_101 : i32
      %dma_start3A_103 = arith.constant 448 : i32
      %dma_start3A_104 = arith.constant 0 : i32
      %dma_start3A_105 = tpu.memref_slice %arg6[%dma_start3A_103, %dma_start3A_104] : memref<512x64xf32, #tpu.memory_space<vmem>> -> memref<64x64xf32, #tpu.memory_space<vmem>>
      %dma_start3A_106 = arith.constant 0 : i32
      %dma_start3A_107 = tpu.memref_slice %arg5[%add3A_102, %dma_start3A_106] : memref<512x128xi32, #tpu.memory_space<vmem>> -> memref<1x64xi32, #tpu.memory_space<vmem>>
      %dma_start3A_108 = tpu.memref_squeeze %dma_start3A_107 : memref<1x64xi32, #tpu.memory_space<vmem>> -> memref<64xi32, #tpu.memory_space<vmem>>
      %dma_start3A_109 = arith.constant 0 : i32
      %dma_start3A_110 = arith.constant 0 : i32
      %dma_start3A_111 = tpu.memref_slice %arg2[%dma_start3A_109, %dma_start3A_110] : memref<2007040x64xf32, #tpu.memory_space<hbm>> -> memref<2007040x64xf32, #tpu.memory_space<hbm>>
      tpu.enqueue_indirect_dma source(%dma_start3A_111 : memref<2007040x64xf32, #tpu.memory_space<hbm>>) target(%dma_start3A_105 : memref<64x64xf32, #tpu.memory_space<vmem>>) offsets(%dma_start3A_108 : memref<64xi32, #tpu.memory_space<vmem>>) semaphore(%arg7 : memref<!tpu.dma_semaphore, #tpu.memory_space<semaphore_mem>>)
      %dma_wait3A = arith.constant 0 : i32
      %dma_wait3A_112 = arith.constant 0 : i32
      %dma_wait3A_113 = tpu.memref_slice %arg6[%dma_wait3A, %dma_wait3A_112] : memref<512x64xf32, #tpu.memory_space<vmem>> -> memref<64x64xf32, #tpu.memory_space<vmem>>
      %dma_wait3A_114 = arith.constant 0 : i32
      %dma_wait3A_115 = tpu.memref_slice %arg5[%add3A_12, %dma_wait3A_114] : memref<512x128xi32, #tpu.memory_space<vmem>> -> memref<1x64xi32, #tpu.memory_space<vmem>>
      %dma_wait3A_116 = tpu.memref_squeeze %dma_wait3A_115 : memref<1x64xi32, #tpu.memory_space<vmem>> -> memref<64xi32, #tpu.memory_space<vmem>>
      %dma_wait3A_117 = arith.constant 0 : i32
      %dma_wait3A_118 = arith.constant 0 : i32
      %dma_wait3A_119 = tpu.memref_slice %arg2[%dma_wait3A_117, %dma_wait3A_118] : memref<2007040x64xf32, #tpu.memory_space<hbm>> -> memref<2007040x64xf32, #tpu.memory_space<hbm>>
      tpu.wait_indirect_dma semaphore(%arg7 : memref<!tpu.dma_semaphore, #tpu.memory_space<semaphore_mem>>) src(%dma_wait3A_119 : memref<2007040x64xf32, #tpu.memory_space<hbm>>) dst(%dma_wait3A_113 : memref<64x64xf32, #tpu.memory_space<vmem>>)
      %dma_wait3A_120 = arith.constant 64 : i32
      %dma_wait3A_121 = arith.constant 0 : i32
      %dma_wait3A_122 = tpu.memref_slice %arg6[%dma_wait3A_120, %dma_wait3A_121] : memref<512x64xf32, #tpu.memory_space<vmem>> -> memref<64x64xf32, #tpu.memory_space<vmem>>
      %dma_wait3A_123 = arith.constant 0 : i32
      %dma_wait3A_124 = tpu.memref_slice %arg5[%add3A_24, %dma_wait3A_123] : memref<512x128xi32, #tpu.memory_space<vmem>> -> memref<1x64xi32, #tpu.memory_space<vmem>>
      %dma_wait3A_125 = tpu.memref_squeeze %dma_wait3A_124 : memref<1x64xi32, #tpu.memory_space<vmem>> -> memref<64xi32, #tpu.memory_space<vmem>>
      %dma_wait3A_126 = arith.constant 0 : i32
      %dma_wait3A_127 = arith.constant 0 : i32
      %dma_wait3A_128 = tpu.memref_slice %arg2[%dma_wait3A_126, %dma_wait3A_127] : memref<2007040x64xf32, #tpu.memory_space<hbm>> -> memref<2007040x64xf32, #tpu.memory_space<hbm>>
      tpu.wait_indirect_dma semaphore(%arg7 : memref<!tpu.dma_semaphore, #tpu.memory_space<semaphore_mem>>) src(%dma_wait3A_128 : memref<2007040x64xf32, #tpu.memory_space<hbm>>) dst(%dma_wait3A_122 : memref<64x64xf32, #tpu.memory_space<vmem>>)
      %dma_wait3A_129 = arith.constant 128 : i32
      %dma_wait3A_130 = arith.constant 0 : i32
      %dma_wait3A_131 = tpu.memref_slice %arg6[%dma_wait3A_129, %dma_wait3A_130] : memref<512x64xf32, #tpu.memory_space<vmem>> -> memref<64x64xf32, #tpu.memory_space<vmem>>
      %dma_wait3A_132 = arith.constant 0 : i32
      %dma_wait3A_133 = tpu.memref_slice %arg5[%add3A_37, %dma_wait3A_132] : memref<512x128xi32, #tpu.memory_space<vmem>> -> memref<1x64xi32, #tpu.memory_space<vmem>>
      %dma_wait3A_134 = tpu.memref_squeeze %dma_wait3A_133 : memref<1x64xi32, #tpu.memory_space<vmem>> -> memref<64xi32, #tpu.memory_space<vmem>>
      %dma_wait3A_135 = arith.constant 0 : i32
      %dma_wait3A_136 = arith.constant 0 : i32
      %dma_wait3A_137 = tpu.memref_slice %arg2[%dma_wait3A_135, %dma_wait3A_136] : memref<2007040x64xf32, #tpu.memory_space<hbm>> -> memref<2007040x64xf32, #tpu.memory_space<hbm>>
      tpu.wait_indirect_dma semaphore(%arg7 : memref<!tpu.dma_semaphore, #tpu.memory_space<semaphore_mem>>) src(%dma_wait3A_137 : memref<2007040x64xf32, #tpu.memory_space<hbm>>) dst(%dma_wait3A_131 : memref<64x64xf32, #tpu.memory_space<vmem>>)
      %dma_wait3A_138 = arith.constant 192 : i32
      %dma_wait3A_139 = arith.constant 0 : i32
      %dma_wait3A_140 = tpu.memref_slice %arg6[%dma_wait3A_138, %dma_wait3A_139] : memref<512x64xf32, #tpu.memory_space<vmem>> -> memref<64x64xf32, #tpu.memory_space<vmem>>
      %dma_wait3A_141 = arith.constant 0 : i32
      %dma_wait3A_142 = tpu.memref_slice %arg5[%add3A_50, %dma_wait3A_141] : memref<512x128xi32, #tpu.memory_space<vmem>> -> memref<1x64xi32, #tpu.memory_space<vmem>>
      %dma_wait3A_143 = tpu.memref_squeeze %dma_wait3A_142 : memref<1x64xi32, #tpu.memory_space<vmem>> -> memref<64xi32, #tpu.memory_space<vmem>>
      %dma_wait3A_144 = arith.constant 0 : i32
      %dma_wait3A_145 = arith.constant 0 : i32
      %dma_wait3A_146 = tpu.memref_slice %arg2[%dma_wait3A_144, %dma_wait3A_145] : memref<2007040x64xf32, #tpu.memory_space<hbm>> -> memref<2007040x64xf32, #tpu.memory_space<hbm>>
      tpu.wait_indirect_dma semaphore(%arg7 : memref<!tpu.dma_semaphore, #tpu.memory_space<semaphore_mem>>) src(%dma_wait3A_146 : memref<2007040x64xf32, #tpu.memory_space<hbm>>) dst(%dma_wait3A_140 : memref<64x64xf32, #tpu.memory_space<vmem>>)
      %dma_wait3A_147 = arith.constant 256 : i32
      %dma_wait3A_148 = arith.constant 0 : i32
      %dma_wait3A_149 = tpu.memref_slice %arg6[%dma_wait3A_147, %dma_wait3A_148] : memref<512x64xf32, #tpu.memory_space<vmem>> -> memref<64x64xf32, #tpu.memory_space<vmem>>
      %dma_wait3A_150 = arith.constant 0 : i32
      %dma_wait3A_151 = tpu.memref_slice %arg5[%add3A_63, %dma_wait3A_150] : memref<512x128xi32, #tpu.memory_space<vmem>> -> memref<1x64xi32, #tpu.memory_space<vmem>>
      %dma_wait3A_152 = tpu.memref_squeeze %dma_wait3A_151 : memref<1x64xi32, #tpu.memory_space<vmem>> -> memref<64xi32, #tpu.memory_space<vmem>>
      %dma_wait3A_153 = arith.constant 0 : i32
      %dma_wait3A_154 = arith.constant 0 : i32
      %dma_wait3A_155 = tpu.memref_slice %arg2[%dma_wait3A_153, %dma_wait3A_154] : memref<2007040x64xf32, #tpu.memory_space<hbm>> -> memref<2007040x64xf32, #tpu.memory_space<hbm>>
      tpu.wait_indirect_dma semaphore(%arg7 : memref<!tpu.dma_semaphore, #tpu.memory_space<semaphore_mem>>) src(%dma_wait3A_155 : memref<2007040x64xf32, #tpu.memory_space<hbm>>) dst(%dma_wait3A_149 : memref<64x64xf32, #tpu.memory_space<vmem>>)
      %dma_wait3A_156 = arith.constant 320 : i32
      %dma_wait3A_157 = arith.constant 0 : i32
      %dma_wait3A_158 = tpu.memref_slice %arg6[%dma_wait3A_156, %dma_wait3A_157] : memref<512x64xf32, #tpu.memory_space<vmem>> -> memref<64x64xf32, #tpu.memory_space<vmem>>
      %dma_wait3A_159 = arith.constant 0 : i32
      %dma_wait3A_160 = tpu.memref_slice %arg5[%add3A_76, %dma_wait3A_159] : memref<512x128xi32, #tpu.memory_space<vmem>> -> memref<1x64xi32, #tpu.memory_space<vmem>>
      %dma_wait3A_161 = tpu.memref_squeeze %dma_wait3A_160 : memref<1x64xi32, #tpu.memory_space<vmem>> -> memref<64xi32, #tpu.memory_space<vmem>>
      %dma_wait3A_162 = arith.constant 0 : i32
      %dma_wait3A_163 = arith.constant 0 : i32
      %dma_wait3A_164 = tpu.memref_slice %arg2[%dma_wait3A_162, %dma_wait3A_163] : memref<2007040x64xf32, #tpu.memory_space<hbm>> -> memref<2007040x64xf32, #tpu.memory_space<hbm>>
      tpu.wait_indirect_dma semaphore(%arg7 : memref<!tpu.dma_semaphore, #tpu.memory_space<semaphore_mem>>) src(%dma_wait3A_164 : memref<2007040x64xf32, #tpu.memory_space<hbm>>) dst(%dma_wait3A_158 : memref<64x64xf32, #tpu.memory_space<vmem>>)
      %dma_wait3A_165 = arith.constant 384 : i32
      %dma_wait3A_166 = arith.constant 0 : i32
      %dma_wait3A_167 = tpu.memref_slice %arg6[%dma_wait3A_165, %dma_wait3A_166] : memref<512x64xf32, #tpu.memory_space<vmem>> -> memref<64x64xf32, #tpu.memory_space<vmem>>
      %dma_wait3A_168 = arith.constant 0 : i32
      %dma_wait3A_169 = tpu.memref_slice %arg5[%add3A_89, %dma_wait3A_168] : memref<512x128xi32, #tpu.memory_space<vmem>> -> memref<1x64xi32, #tpu.memory_space<vmem>>
      %dma_wait3A_170 = tpu.memref_squeeze %dma_wait3A_169 : memref<1x64xi32, #tpu.memory_space<vmem>> -> memref<64xi32, #tpu.memory_space<vmem>>
      %dma_wait3A_171 = arith.constant 0 : i32
      %dma_wait3A_172 = arith.constant 0 : i32
      %dma_wait3A_173 = tpu.memref_slice %arg2[%dma_wait3A_171, %dma_wait3A_172] : memref<2007040x64xf32, #tpu.memory_space<hbm>> -> memref<2007040x64xf32, #tpu.memory_space<hbm>>
      tpu.wait_indirect_dma semaphore(%arg7 : memref<!tpu.dma_semaphore, #tpu.memory_space<semaphore_mem>>) src(%dma_wait3A_173 : memref<2007040x64xf32, #tpu.memory_space<hbm>>) dst(%dma_wait3A_167 : memref<64x64xf32, #tpu.memory_space<vmem>>)
      %dma_wait3A_174 = arith.constant 448 : i32
      %dma_wait3A_175 = arith.constant 0 : i32
      %dma_wait3A_176 = tpu.memref_slice %arg6[%dma_wait3A_174, %dma_wait3A_175] : memref<512x64xf32, #tpu.memory_space<vmem>> -> memref<64x64xf32, #tpu.memory_space<vmem>>
      %dma_wait3A_177 = arith.constant 0 : i32
      %dma_wait3A_178 = tpu.memref_slice %arg5[%add3A_102, %dma_wait3A_177] : memref<512x128xi32, #tpu.memory_space<vmem>> -> memref<1x64xi32, #tpu.memory_space<vmem>>
      %dma_wait3A_179 = tpu.memref_squeeze %dma_wait3A_178 : memref<1x64xi32, #tpu.memory_space<vmem>> -> memref<64xi32, #tpu.memory_space<vmem>>
      %dma_wait3A_180 = arith.constant 0 : i32
      %dma_wait3A_181 = arith.constant 0 : i32
      %dma_wait3A_182 = tpu.memref_slice %arg2[%dma_wait3A_180, %dma_wait3A_181] : memref<2007040x64xf32, #tpu.memory_space<hbm>> -> memref<2007040x64xf32, #tpu.memory_space<hbm>>
      tpu.wait_indirect_dma semaphore(%arg7 : memref<!tpu.dma_semaphore, #tpu.memory_space<semaphore_mem>>) src(%dma_wait3A_182 : memref<2007040x64xf32, #tpu.memory_space<hbm>>) dst(%dma_wait3A_176 : memref<64x64xf32, #tpu.memory_space<vmem>>)
      %mul3A_183 = arith.constant 8 : i32
      %mul3A_184 = arith.muli %scan3A_8, %mul3A_183 : i32
      %add3A_185 = arith.addi %mul3A_2, %mul3A_184 : i32
      %mul3A_186 = arith.constant 64 : i32
      %mul3A_187 = arith.muli %add3A_185, %mul3A_186 : i32
      "tpu.region"() ({
        %run_scoped3A = tpu.sem_alloc : memref<!tpu.dma_semaphore, #tpu.memory_space<semaphore_mem>>
        %dma_start3A_188 = arith.constant 0 : i32
        %dma_start3A_189 = tpu.memref_slice %arg4[%mul3A_187, %dma_start3A_188] : memref<1048576x64xf32, #tpu.memory_space<hbm>> -> memref<512x64xf32, #tpu.memory_space<hbm>>
        %dma_start3A_190 = arith.constant 0 : i32
        %dma_start3A_191 = tpu.memref_slice %arg4[%mul3A_187, %dma_start3A_190] : memref<1048576x64xf32, #tpu.memory_space<hbm>> -> memref<512x64xf32, #tpu.memory_space<hbm>>
        tpu.enqueue_dma source(%arg6 : memref<512x64xf32, #tpu.memory_space<vmem>>) target(%dma_start3A_191 : memref<512x64xf32, #tpu.memory_space<hbm>>) target_semaphore(%run_scoped3A : memref<!tpu.dma_semaphore, #tpu.memory_space<semaphore_mem>>)
        %dma_wait3A_192 = arith.constant 0 : i32
        %dma_wait3A_193 = tpu.memref_slice %arg4[%mul3A_187, %dma_wait3A_192] : memref<1048576x64xf32, #tpu.memory_space<hbm>> -> memref<512x64xf32, #tpu.memory_space<hbm>>
        %dma_wait3A_194 = arith.constant 0 : i32
        %dma_wait3A_195 = tpu.memref_slice %arg4[%mul3A_187, %dma_wait3A_194] : memref<1048576x64xf32, #tpu.memory_space<hbm>> -> memref<512x64xf32, #tpu.memory_space<hbm>>
        tpu.wait_dma2 semaphore(%run_scoped3A : memref<!tpu.dma_semaphore, #tpu.memory_space<semaphore_mem>>) src(%arg6 : memref<512x64xf32, #tpu.memory_space<vmem>>) dst(%dma_wait3A_195 : memref<512x64xf32, #tpu.memory_space<hbm>>)
        tpu.yield
      }) : () -> ()
    }
    %scan3A_7 = arith.constant 64 : i32
    return
  }
}

module attributes {stable_mosaic.version = 14 : i64} {
  func.func @_pad_body(%arg0: i32, %arg1: memref<2048x50xi32, #tpu.memory_space<vmem>>, %arg2: memref<2048x128xi32, #tpu.memory_space<vmem>>) attributes {dimension_semantics = [#tpu.dimension_semantics<arbitrary>], iteration_bounds = array<i64: 8>, scalar_prefetch = 0 : i64, scratch_operands = 0 : i64, tpu.core_type = #tpu.core_type<tc>, window_params = [{transform_indices = @transform_0, window_bounds = array<i64: 2048, 50>}, {transform_indices = @transform_1, window_bounds = array<i64: 2048, 128>}]} {
    %broadcast_in_dim3A = arith.constant 0 : i32
    %broadcast_in_dim3A_0 = vector.broadcast %broadcast_in_dim3A : i32 to vector<2048x78xi32>
    %get3A = arith.constant 0 : index
    %get3A_1 = arith.constant 0 : index
    %get3A_2 = vector.load %arg1[%get3A, %get3A_1] : memref<2048x50xi32, #tpu.memory_space<vmem>>, vector<2048x50xi32>
    %add3A = arith.addi %get3A_2, %get3A_2 : vector<2048x50xi32>
    %concatenate3A = tpu.concatenate %add3A, %broadcast_in_dim3A_0 in 1 : vector<2048x50xi32>, vector<2048x78xi32> -> vector<2048x128xi32>
    %swap3A = arith.constant 0 : index
    %swap3A_3 = arith.constant 0 : index
    %swap3A_4 = vector.load %arg2[%swap3A, %swap3A_3] : memref<2048x128xi32, #tpu.memory_space<vmem>>, vector<2048x128xi32>
    tpu.vector_store %arg2[%swap3A, %swap3A_3], %concatenate3A {strides = array<i32>} : memref<2048x128xi32, #tpu.memory_space<vmem>>, vector<2048x128xi32>,
    return
  }
  func.func @transform_0(%arg0: i32) -> (i32, i32) {
    %c0_i32 = arith.constant 0 : i32
    %c0_i32_0 = arith.constant 0 : i32
    return %arg0, %c0_i32 : i32, i32
  }
  func.func @transform_1(%arg0: i32) -> (i32, i32) {
    %c0_i32 = arith.constant 0 : i32
    %c0_i32_0 = arith.constant 0 : i32
    return %arg0, %c0_i32 : i32, i32
  }
}

module attributes {stable_mosaic.version = 14 : i64} {
  func.func @_tt_body(%arg0: i32, %arg1: memref<256x256xf32, #tpu.memory_space<vmem>>, %arg2: memref<64x4096xf32, #tpu.memory_space<vmem>>, %arg3: memref<4096x128xf32, #tpu.memory_space<vmem>>) attributes {dimension_semantics = [#tpu.dimension_semantics<arbitrary>], iteration_bounds = array<i64: 245>, scalar_prefetch = 0 : i64, scratch_operands = 0 : i64, tpu.core_type = #tpu.core_type<tc>, window_params = [{pipeline_mode = #tpu.pipeline_mode<synchronous>, transform_indices = @transform_0, window_bounds = array<i64: 256, 256>}, {transform_indices = @transform_1, window_bounds = array<i64: 64, 4096>}, {transform_indices = @transform_2, window_bounds = array<i64: 4096, 128>}]} {
    %get3A = arith.constant 0 : index
    %get3A_0 = arith.constant 0 : index
    %get3A_1 = vector.load %arg1[%get3A, %get3A_0] : memref<256x256xf32, #tpu.memory_space<vmem>>, vector<256x256xf32>
    %broadcast_in_dim3A = arith.constant 0.000000e+00 : f32
    %broadcast_in_dim3A_2 = vector.broadcast %broadcast_in_dim3A : f32 to vector<256x64xf32>
    %get3A_3 = arith.constant 0 : index
    %get3A_4 = arith.constant 0 : index
    %get3A_5 = vector.load %arg2[%get3A_3, %get3A_4] : memref<64x4096xf32, #tpu.memory_space<vmem>>, vector<64x256xf32>
    %dot_general3A = arith.constant dense<0.000000e+00> : vector<256x64xf32>
    %dot_general3A_6 = tpu.matmul %get3A_1, %get3A_5, %dot_general3A {dimension_numbers = #tpu.dot_dimension_numbers<[1], [1], [0], [0], [0, 0, 1, 0], [], []>, transpose_lhs_hint = false} : vector<256x256xf32>, vector<64x256xf32>, vector<256x64xf32> -> vector<256x64xf32>
    %swap3A = arith.constant 0 : index
    %swap3A_7 = arith.constant 0 : index
    %swap3A_8 = vector.load %arg3[%swap3A, %swap3A_7] : memref<4096x128xf32, #tpu.memory_space<vmem>>, vector<256x64xf32>
    tpu.vector_store %arg3[%swap3A, %swap3A_7], %dot_general3A_6 {strides = array<i32>} : memref<4096x128xf32, #tpu.memory_space<vmem>>, vector<256x64xf32>,
    %swap3A_9 = arith.constant 0 : index
    %swap3A_10 = arith.constant 64 : index
    %swap3A_11 = vector.load %arg3[%swap3A_9, %swap3A_10] : memref<4096x128xf32, #tpu.memory_space<vmem>>, vector<256x64xf32>
    tpu.vector_store %arg3[%swap3A_9, %swap3A_10], %broadcast_in_dim3A_2 {strides = array<i32>} : memref<4096x128xf32, #tpu.memory_space<vmem>>, vector<256x64xf32>,
    %get3A_12 = arith.constant 0 : index
    %get3A_13 = arith.constant 256 : index
    %get3A_14 = vector.load %arg2[%get3A_12, %get3A_13] : memref<64x4096xf32, #tpu.memory_space<vmem>>, vector<64x256xf32>
    %dot_general3A_15 = arith.constant dense<0.000000e+00> : vector<256x64xf32>
    %dot_general3A_16 = tpu.matmul %get3A_1, %get3A_14, %dot_general3A_15 {dimension_numbers = #tpu.dot_dimension_numbers<[1], [1], [0], [0], [0, 0, 1, 0], [], []>, transpose_lhs_hint = false} : vector<256x256xf32>, vector<64x256xf32>, vector<256x64xf32> -> vector<256x64xf32>
    %swap3A_17 = arith.constant 256 : index
    %swap3A_18 = arith.constant 0 : index
    %swap3A_19 = vector.load %arg3[%swap3A_17, %swap3A_18] : memref<4096x128xf32, #tpu.memory_space<vmem>>, vector<256x64xf32>
    tpu.vector_store %arg3[%swap3A_17, %swap3A_18], %dot_general3A_16 {strides = array<i32>} : memref<4096x128xf32, #tpu.memory_space<vmem>>, vector<256x64xf32>,
    %swap3A_20 = arith.constant 256 : index
    %swap3A_21 = arith.constant 64 : index
    %swap3A_22 = vector.load %arg3[%swap3A_20, %swap3A_21] : memref<4096x128xf32, #tpu.memory_space<vmem>>, vector<256x64xf32>
    tpu.vector_store %arg3[%swap3A_20, %swap3A_21], %broadcast_in_dim3A_2 {strides = array<i32>} : memref<4096x128xf32, #tpu.memory_space<vmem>>, vector<256x64xf32>,
    %get3A_23 = arith.constant 0 : index
    %get3A_24 = arith.constant 512 : index
    %get3A_25 = vector.load %arg2[%get3A_23, %get3A_24] : memref<64x4096xf32, #tpu.memory_space<vmem>>, vector<64x256xf32>
    %dot_general3A_26 = arith.constant dense<0.000000e+00> : vector<256x64xf32>
    %dot_general3A_27 = tpu.matmul %get3A_1, %get3A_25, %dot_general3A_26 {dimension_numbers = #tpu.dot_dimension_numbers<[1], [1], [0], [0], [0, 0, 1, 0], [], []>, transpose_lhs_hint = false} : vector<256x256xf32>, vector<64x256xf32>, vector<256x64xf32> -> vector<256x64xf32>
    %swap3A_28 = arith.constant 512 : index
    %swap3A_29 = arith.constant 0 : index
    %swap3A_30 = vector.load %arg3[%swap3A_28, %swap3A_29] : memref<4096x128xf32, #tpu.memory_space<vmem>>, vector<256x64xf32>
    tpu.vector_store %arg3[%swap3A_28, %swap3A_29], %dot_general3A_27 {strides = array<i32>} : memref<4096x128xf32, #tpu.memory_space<vmem>>, vector<256x64xf32>,
    %swap3A_31 = arith.constant 512 : index
    %swap3A_32 = arith.constant 64 : index
    %swap3A_33 = vector.load %arg3[%swap3A_31, %swap3A_32] : memref<4096x128xf32, #tpu.memory_space<vmem>>, vector<256x64xf32>
    tpu.vector_store %arg3[%swap3A_31, %swap3A_32], %broadcast_in_dim3A_2 {strides = array<i32>} : memref<4096x128xf32, #tpu.memory_space<vmem>>, vector<256x64xf32>,
    %get3A_34 = arith.constant 0 : index
    %get3A_35 = arith.constant 768 : index
    %get3A_36 = vector.load %arg2[%get3A_34, %get3A_35] : memref<64x4096xf32, #tpu.memory_space<vmem>>, vector<64x256xf32>
    %dot_general3A_37 = arith.constant dense<0.000000e+00> : vector<256x64xf32>
    %dot_general3A_38 = tpu.matmul %get3A_1, %get3A_36, %dot_general3A_37 {dimension_numbers = #tpu.dot_dimension_numbers<[1], [1], [0], [0], [0, 0, 1, 0], [], []>, transpose_lhs_hint = false} : vector<256x256xf32>, vector<64x256xf32>, vector<256x64xf32> -> vector<256x64xf32>
    %swap3A_39 = arith.constant 768 : index
    %swap3A_40 = arith.constant 0 : index
    %swap3A_41 = vector.load %arg3[%swap3A_39, %swap3A_40] : memref<4096x128xf32, #tpu.memory_space<vmem>>, vector<256x64xf32>
    tpu.vector_store %arg3[%swap3A_39, %swap3A_40], %dot_general3A_38 {strides = array<i32>} : memref<4096x128xf32, #tpu.memory_space<vmem>>, vector<256x64xf32>,
    %swap3A_42 = arith.constant 768 : index
    %swap3A_43 = arith.constant 64 : index
    %swap3A_44 = vector.load %arg3[%swap3A_42, %swap3A_43] : memref<4096x128xf32, #tpu.memory_space<vmem>>, vector<256x64xf32>
    tpu.vector_store %arg3[%swap3A_42, %swap3A_43], %broadcast_in_dim3A_2 {strides = array<i32>} : memref<4096x128xf32, #tpu.memory_space<vmem>>, vector<256x64xf32>,
    %get3A_45 = arith.constant 0 : index
    %get3A_46 = arith.constant 1024 : index
    %get3A_47 = vector.load %arg2[%get3A_45, %get3A_46] : memref<64x4096xf32, #tpu.memory_space<vmem>>, vector<64x256xf32>
    %dot_general3A_48 = arith.constant dense<0.000000e+00> : vector<256x64xf32>
    %dot_general3A_49 = tpu.matmul %get3A_1, %get3A_47, %dot_general3A_48 {dimension_numbers = #tpu.dot_dimension_numbers<[1], [1], [0], [0], [0, 0, 1, 0], [], []>, transpose_lhs_hint = false} : vector<256x256xf32>, vector<64x256xf32>, vector<256x64xf32> -> vector<256x64xf32>
    %swap3A_50 = arith.constant 1024 : index
    %swap3A_51 = arith.constant 0 : index
    %swap3A_52 = vector.load %arg3[%swap3A_50, %swap3A_51] : memref<4096x128xf32, #tpu.memory_space<vmem>>, vector<256x64xf32>
    tpu.vector_store %arg3[%swap3A_50, %swap3A_51], %dot_general3A_49 {strides = array<i32>} : memref<4096x128xf32, #tpu.memory_space<vmem>>, vector<256x64xf32>,
    %swap3A_53 = arith.constant 1024 : index
    %swap3A_54 = arith.constant 64 : index
    %swap3A_55 = vector.load %arg3[%swap3A_53, %swap3A_54] : memref<4096x128xf32, #tpu.memory_space<vmem>>, vector<256x64xf32>
    tpu.vector_store %arg3[%swap3A_53, %swap3A_54], %broadcast_in_dim3A_2 {strides = array<i32>} : memref<4096x128xf32, #tpu.memory_space<vmem>>, vector<256x64xf32>,
    %get3A_56 = arith.constant 0 : index
    %get3A_57 = arith.constant 1280 : index
    %get3A_58 = vector.load %arg2[%get3A_56, %get3A_57] : memref<64x4096xf32, #tpu.memory_space<vmem>>, vector<64x256xf32>
    %dot_general3A_59 = arith.constant dense<0.000000e+00> : vector<256x64xf32>
    %dot_general3A_60 = tpu.matmul %get3A_1, %get3A_58, %dot_general3A_59 {dimension_numbers = #tpu.dot_dimension_numbers<[1], [1], [0], [0], [0, 0, 1, 0], [], []>, transpose_lhs_hint = false} : vector<256x256xf32>, vector<64x256xf32>, vector<256x64xf32> -> vector<256x64xf32>
    %swap3A_61 = arith.constant 1280 : index
    %swap3A_62 = arith.constant 0 : index
    %swap3A_63 = vector.load %arg3[%swap3A_61, %swap3A_62] : memref<4096x128xf32, #tpu.memory_space<vmem>>, vector<256x64xf32>
    tpu.vector_store %arg3[%swap3A_61, %swap3A_62], %dot_general3A_60 {strides = array<i32>} : memref<4096x128xf32, #tpu.memory_space<vmem>>, vector<256x64xf32>,
    %swap3A_64 = arith.constant 1280 : index
    %swap3A_65 = arith.constant 64 : index
    %swap3A_66 = vector.load %arg3[%swap3A_64, %swap3A_65] : memref<4096x128xf32, #tpu.memory_space<vmem>>, vector<256x64xf32>
    tpu.vector_store %arg3[%swap3A_64, %swap3A_65], %broadcast_in_dim3A_2 {strides = array<i32>} : memref<4096x128xf32, #tpu.memory_space<vmem>>, vector<256x64xf32>,
    %get3A_67 = arith.constant 0 : index
    %get3A_68 = arith.constant 1536 : index
    %get3A_69 = vector.load %arg2[%get3A_67, %get3A_68] : memref<64x4096xf32, #tpu.memory_space<vmem>>, vector<64x256xf32>
    %dot_general3A_70 = arith.constant dense<0.000000e+00> : vector<256x64xf32>
    %dot_general3A_71 = tpu.matmul %get3A_1, %get3A_69, %dot_general3A_70 {dimension_numbers = #tpu.dot_dimension_numbers<[1], [1], [0], [0], [0, 0, 1, 0], [], []>, transpose_lhs_hint = false} : vector<256x256xf32>, vector<64x256xf32>, vector<256x64xf32> -> vector<256x64xf32>
    %swap3A_72 = arith.constant 1536 : index
    %swap3A_73 = arith.constant 0 : index
    %swap3A_74 = vector.load %arg3[%swap3A_72, %swap3A_73] : memref<4096x128xf32, #tpu.memory_space<vmem>>, vector<256x64xf32>
    tpu.vector_store %arg3[%swap3A_72, %swap3A_73], %dot_general3A_71 {strides = array<i32>} : memref<4096x128xf32, #tpu.memory_space<vmem>>, vector<256x64xf32>,
    %swap3A_75 = arith.constant 1536 : index
    %swap3A_76 = arith.constant 64 : index
    %swap3A_77 = vector.load %arg3[%swap3A_75, %swap3A_76] : memref<4096x128xf32, #tpu.memory_space<vmem>>, vector<256x64xf32>
    tpu.vector_store %arg3[%swap3A_75, %swap3A_76], %broadcast_in_dim3A_2 {strides = array<i32>} : memref<4096x128xf32, #tpu.memory_space<vmem>>, vector<256x64xf32>,
    %get3A_78 = arith.constant 0 : index
    %get3A_79 = arith.constant 1792 : index
    %get3A_80 = vector.load %arg2[%get3A_78, %get3A_79] : memref<64x4096xf32, #tpu.memory_space<vmem>>, vector<64x256xf32>
    %dot_general3A_81 = arith.constant dense<0.000000e+00> : vector<256x64xf32>
    %dot_general3A_82 = tpu.matmul %get3A_1, %get3A_80, %dot_general3A_81 {dimension_numbers = #tpu.dot_dimension_numbers<[1], [1], [0], [0], [0, 0, 1, 0], [], []>, transpose_lhs_hint = false} : vector<256x256xf32>, vector<64x256xf32>, vector<256x64xf32> -> vector<256x64xf32>
    %swap3A_83 = arith.constant 1792 : index
    %swap3A_84 = arith.constant 0 : index
    %swap3A_85 = vector.load %arg3[%swap3A_83, %swap3A_84] : memref<4096x128xf32, #tpu.memory_space<vmem>>, vector<256x64xf32>
    tpu.vector_store %arg3[%swap3A_83, %swap3A_84], %dot_general3A_82 {strides = array<i32>} : memref<4096x128xf32, #tpu.memory_space<vmem>>, vector<256x64xf32>,
    %swap3A_86 = arith.constant 1792 : index
    %swap3A_87 = arith.constant 64 : index
    %swap3A_88 = vector.load %arg3[%swap3A_86, %swap3A_87] : memref<4096x128xf32, #tpu.memory_space<vmem>>, vector<256x64xf32>
    tpu.vector_store %arg3[%swap3A_86, %swap3A_87], %broadcast_in_dim3A_2 {strides = array<i32>} : memref<4096x128xf32, #tpu.memory_space<vmem>>, vector<256x64xf32>,
    %get3A_89 = arith.constant 0 : index
    %get3A_90 = arith.constant 2048 : index
    %get3A_91 = vector.load %arg2[%get3A_89, %get3A_90] : memref<64x4096xf32, #tpu.memory_space<vmem>>, vector<64x256xf32>
    %dot_general3A_92 = arith.constant dense<0.000000e+00> : vector<256x64xf32>
    %dot_general3A_93 = tpu.matmul %get3A_1, %get3A_91, %dot_general3A_92 {dimension_numbers = #tpu.dot_dimension_numbers<[1], [1], [0], [0], [0, 0, 1, 0], [], []>, transpose_lhs_hint = false} : vector<256x256xf32>, vector<64x256xf32>, vector<256x64xf32> -> vector<256x64xf32>
    %swap3A_94 = arith.constant 2048 : index
    %swap3A_95 = arith.constant 0 : index
    %swap3A_96 = vector.load %arg3[%swap3A_94, %swap3A_95] : memref<4096x128xf32, #tpu.memory_space<vmem>>, vector<256x64xf32>
    tpu.vector_store %arg3[%swap3A_94, %swap3A_95], %dot_general3A_93 {strides = array<i32>} : memref<4096x128xf32, #tpu.memory_space<vmem>>, vector<256x64xf32>,
    %swap3A_97 = arith.constant 2048 : index
    %swap3A_98 = arith.constant 64 : index
    %swap3A_99 = vector.load %arg3[%swap3A_97, %swap3A_98] : memref<4096x128xf32, #tpu.memory_space<vmem>>, vector<256x64xf32>
    tpu.vector_store %arg3[%swap3A_97, %swap3A_98], %broadcast_in_dim3A_2 {strides = array<i32>} : memref<4096x128xf32, #tpu.memory_space<vmem>>, vector<256x64xf32>,
    %get3A_100 = arith.constant 0 : index
    %get3A_101 = arith.constant 2304 : index
    %get3A_102 = vector.load %arg2[%get3A_100, %get3A_101] : memref<64x4096xf32, #tpu.memory_space<vmem>>, vector<64x256xf32>
    %dot_general3A_103 = arith.constant dense<0.000000e+00> : vector<256x64xf32>
    %dot_general3A_104 = tpu.matmul %get3A_1, %get3A_102, %dot_general3A_103 {dimension_numbers = #tpu.dot_dimension_numbers<[1], [1], [0], [0], [0, 0, 1, 0], [], []>, transpose_lhs_hint = false} : vector<256x256xf32>, vector<64x256xf32>, vector<256x64xf32> -> vector<256x64xf32>
    %swap3A_105 = arith.constant 2304 : index
    %swap3A_106 = arith.constant 0 : index
    %swap3A_107 = vector.load %arg3[%swap3A_105, %swap3A_106] : memref<4096x128xf32, #tpu.memory_space<vmem>>, vector<256x64xf32>
    tpu.vector_store %arg3[%swap3A_105, %swap3A_106], %dot_general3A_104 {strides = array<i32>} : memref<4096x128xf32, #tpu.memory_space<vmem>>, vector<256x64xf32>,
    %swap3A_108 = arith.constant 2304 : index
    %swap3A_109 = arith.constant 64 : index
    %swap3A_110 = vector.load %arg3[%swap3A_108, %swap3A_109] : memref<4096x128xf32, #tpu.memory_space<vmem>>, vector<256x64xf32>
    tpu.vector_store %arg3[%swap3A_108, %swap3A_109], %broadcast_in_dim3A_2 {strides = array<i32>} : memref<4096x128xf32, #tpu.memory_space<vmem>>, vector<256x64xf32>,
    %get3A_111 = arith.constant 0 : index
    %get3A_112 = arith.constant 2560 : index
    %get3A_113 = vector.load %arg2[%get3A_111, %get3A_112] : memref<64x4096xf32, #tpu.memory_space<vmem>>, vector<64x256xf32>
    %dot_general3A_114 = arith.constant dense<0.000000e+00> : vector<256x64xf32>
    %dot_general3A_115 = tpu.matmul %get3A_1, %get3A_113, %dot_general3A_114 {dimension_numbers = #tpu.dot_dimension_numbers<[1], [1], [0], [0], [0, 0, 1, 0], [], []>, transpose_lhs_hint = false} : vector<256x256xf32>, vector<64x256xf32>, vector<256x64xf32> -> vector<256x64xf32>
    %swap3A_116 = arith.constant 2560 : index
    %swap3A_117 = arith.constant 0 : index
    %swap3A_118 = vector.load %arg3[%swap3A_116, %swap3A_117] : memref<4096x128xf32, #tpu.memory_space<vmem>>, vector<256x64xf32>
    tpu.vector_store %arg3[%swap3A_116, %swap3A_117], %dot_general3A_115 {strides = array<i32>} : memref<4096x128xf32, #tpu.memory_space<vmem>>, vector<256x64xf32>,
    %swap3A_119 = arith.constant 2560 : index
    %swap3A_120 = arith.constant 64 : index
    %swap3A_121 = vector.load %arg3[%swap3A_119, %swap3A_120] : memref<4096x128xf32, #tpu.memory_space<vmem>>, vector<256x64xf32>
    tpu.vector_store %arg3[%swap3A_119, %swap3A_120], %broadcast_in_dim3A_2 {strides = array<i32>} : memref<4096x128xf32, #tpu.memory_space<vmem>>, vector<256x64xf32>,
    %get3A_122 = arith.constant 0 : index
    %get3A_123 = arith.constant 2816 : index
    %get3A_124 = vector.load %arg2[%get3A_122, %get3A_123] : memref<64x4096xf32, #tpu.memory_space<vmem>>, vector<64x256xf32>
    %dot_general3A_125 = arith.constant dense<0.000000e+00> : vector<256x64xf32>
    %dot_general3A_126 = tpu.matmul %get3A_1, %get3A_124, %dot_general3A_125 {dimension_numbers = #tpu.dot_dimension_numbers<[1], [1], [0], [0], [0, 0, 1, 0], [], []>, transpose_lhs_hint = false} : vector<256x256xf32>, vector<64x256xf32>, vector<256x64xf32> -> vector<256x64xf32>
    %swap3A_127 = arith.constant 2816 : index
    %swap3A_128 = arith.constant 0 : index
    %swap3A_129 = vector.load %arg3[%swap3A_127, %swap3A_128] : memref<4096x128xf32, #tpu.memory_space<vmem>>, vector<256x64xf32>
    tpu.vector_store %arg3[%swap3A_127, %swap3A_128], %dot_general3A_126 {strides = array<i32>} : memref<4096x128xf32, #tpu.memory_space<vmem>>, vector<256x64xf32>,
    %swap3A_130 = arith.constant 2816 : index
    %swap3A_131 = arith.constant 64 : index
    %swap3A_132 = vector.load %arg3[%swap3A_130, %swap3A_131] : memref<4096x128xf32, #tpu.memory_space<vmem>>, vector<256x64xf32>
    tpu.vector_store %arg3[%swap3A_130, %swap3A_131], %broadcast_in_dim3A_2 {strides = array<i32>} : memref<4096x128xf32, #tpu.memory_space<vmem>>, vector<256x64xf32>,
    %get3A_133 = arith.constant 0 : index
    %get3A_134 = arith.constant 3072 : index
    %get3A_135 = vector.load %arg2[%get3A_133, %get3A_134] : memref<64x4096xf32, #tpu.memory_space<vmem>>, vector<64x256xf32>
    %dot_general3A_136 = arith.constant dense<0.000000e+00> : vector<256x64xf32>
    %dot_general3A_137 = tpu.matmul %get3A_1, %get3A_135, %dot_general3A_136 {dimension_numbers = #tpu.dot_dimension_numbers<[1], [1], [0], [0], [0, 0, 1, 0], [], []>, transpose_lhs_hint = false} : vector<256x256xf32>, vector<64x256xf32>, vector<256x64xf32> -> vector<256x64xf32>
    %swap3A_138 = arith.constant 3072 : index
    %swap3A_139 = arith.constant 0 : index
    %swap3A_140 = vector.load %arg3[%swap3A_138, %swap3A_139] : memref<4096x128xf32, #tpu.memory_space<vmem>>, vector<256x64xf32>
    tpu.vector_store %arg3[%swap3A_138, %swap3A_139], %dot_general3A_137 {strides = array<i32>} : memref<4096x128xf32, #tpu.memory_space<vmem>>, vector<256x64xf32>,
    %swap3A_141 = arith.constant 3072 : index
    %swap3A_142 = arith.constant 64 : index
    %swap3A_143 = vector.load %arg3[%swap3A_141, %swap3A_142] : memref<4096x128xf32, #tpu.memory_space<vmem>>, vector<256x64xf32>
    tpu.vector_store %arg3[%swap3A_141, %swap3A_142], %broadcast_in_dim3A_2 {strides = array<i32>} : memref<4096x128xf32, #tpu.memory_space<vmem>>, vector<256x64xf32>,
    %get3A_144 = arith.constant 0 : index
    %get3A_145 = arith.constant 3328 : index
    %get3A_146 = vector.load %arg2[%get3A_144, %get3A_145] : memref<64x4096xf32, #tpu.memory_space<vmem>>, vector<64x256xf32>
    %dot_general3A_147 = arith.constant dense<0.000000e+00> : vector<256x64xf32>
    %dot_general3A_148 = tpu.matmul %get3A_1, %get3A_146, %dot_general3A_147 {dimension_numbers = #tpu.dot_dimension_numbers<[1], [1], [0], [0], [0, 0, 1, 0], [], []>, transpose_lhs_hint = false} : vector<256x256xf32>, vector<64x256xf32>, vector<256x64xf32> -> vector<256x64xf32>
    %swap3A_149 = arith.constant 3328 : index
    %swap3A_150 = arith.constant 0 : index
    %swap3A_151 = vector.load %arg3[%swap3A_149, %swap3A_150] : memref<4096x128xf32, #tpu.memory_space<vmem>>, vector<256x64xf32>
    tpu.vector_store %arg3[%swap3A_149, %swap3A_150], %dot_general3A_148 {strides = array<i32>} : memref<4096x128xf32, #tpu.memory_space<vmem>>, vector<256x64xf32>,
    %swap3A_152 = arith.constant 3328 : index
    %swap3A_153 = arith.constant 64 : index
    %swap3A_154 = vector.load %arg3[%swap3A_152, %swap3A_153] : memref<4096x128xf32, #tpu.memory_space<vmem>>, vector<256x64xf32>
    tpu.vector_store %arg3[%swap3A_152, %swap3A_153], %broadcast_in_dim3A_2 {strides = array<i32>} : memref<4096x128xf32, #tpu.memory_space<vmem>>, vector<256x64xf32>,
    %get3A_155 = arith.constant 0 : index
    %get3A_156 = arith.constant 3584 : index
    %get3A_157 = vector.load %arg2[%get3A_155, %get3A_156] : memref<64x4096xf32, #tpu.memory_space<vmem>>, vector<64x256xf32>
    %dot_general3A_158 = arith.constant dense<0.000000e+00> : vector<256x64xf32>
    %dot_general3A_159 = tpu.matmul %get3A_1, %get3A_157, %dot_general3A_158 {dimension_numbers = #tpu.dot_dimension_numbers<[1], [1], [0], [0], [0, 0, 1, 0], [], []>, transpose_lhs_hint = false} : vector<256x256xf32>, vector<64x256xf32>, vector<256x64xf32> -> vector<256x64xf32>
    %swap3A_160 = arith.constant 3584 : index
    %swap3A_161 = arith.constant 0 : index
    %swap3A_162 = vector.load %arg3[%swap3A_160, %swap3A_161] : memref<4096x128xf32, #tpu.memory_space<vmem>>, vector<256x64xf32>
    tpu.vector_store %arg3[%swap3A_160, %swap3A_161], %dot_general3A_159 {strides = array<i32>} : memref<4096x128xf32, #tpu.memory_space<vmem>>, vector<256x64xf32>,
    %swap3A_163 = arith.constant 3584 : index
    %swap3A_164 = arith.constant 64 : index
    %swap3A_165 = vector.load %arg3[%swap3A_163, %swap3A_164] : memref<4096x128xf32, #tpu.memory_space<vmem>>, vector<256x64xf32>
    tpu.vector_store %arg3[%swap3A_163, %swap3A_164], %broadcast_in_dim3A_2 {strides = array<i32>} : memref<4096x128xf32, #tpu.memory_space<vmem>>, vector<256x64xf32>,
    %get3A_166 = arith.constant 0 : index
    %get3A_167 = arith.constant 3840 : index
    %get3A_168 = vector.load %arg2[%get3A_166, %get3A_167] : memref<64x4096xf32, #tpu.memory_space<vmem>>, vector<64x256xf32>
    %dot_general3A_169 = arith.constant dense<0.000000e+00> : vector<256x64xf32>
    %dot_general3A_170 = tpu.matmul %get3A_1, %get3A_168, %dot_general3A_169 {dimension_numbers = #tpu.dot_dimension_numbers<[1], [1], [0], [0], [0, 0, 1, 0], [], []>, transpose_lhs_hint = false} : vector<256x256xf32>, vector<64x256xf32>, vector<256x64xf32> -> vector<256x64xf32>
    %swap3A_171 = arith.constant 3840 : index
    %swap3A_172 = arith.constant 0 : index
    %swap3A_173 = vector.load %arg3[%swap3A_171, %swap3A_172] : memref<4096x128xf32, #tpu.memory_space<vmem>>, vector<256x64xf32>
    tpu.vector_store %arg3[%swap3A_171, %swap3A_172], %dot_general3A_170 {strides = array<i32>} : memref<4096x128xf32, #tpu.memory_space<vmem>>, vector<256x64xf32>,
    %swap3A_174 = arith.constant 3840 : index
    %swap3A_175 = arith.constant 64 : index
    %swap3A_176 = vector.load %arg3[%swap3A_174, %swap3A_175] : memref<4096x128xf32, #tpu.memory_space<vmem>>, vector<256x64xf32>
    tpu.vector_store %arg3[%swap3A_174, %swap3A_175], %broadcast_in_dim3A_2 {strides = array<i32>} : memref<4096x128xf32, #tpu.memory_space<vmem>>, vector<256x64xf32>,
    return
  }
  func.func @transform_0(%arg0: i32) -> (i32, i32) {
    %c0_i32 = arith.constant 0 : i32
    %c0_i32_0 = arith.constant 0 : i32
    %c0_i32_1 = arith.constant 0 : i32
    return %c0_i32, %c0_i32_0 : i32, i32
  }
  func.func @transform_1(%arg0: i32) -> (i32, i32) {
    %c0_i32 = arith.constant 0 : i32
    %c0_i32_0 = arith.constant 0 : i32
    return %c0_i32, %arg0 : i32, i32
  }
  func.func @transform_2(%arg0: i32) -> (i32, i32) {
    %c0_i32 = arith.constant 0 : i32
    %c0_i32_0 = arith.constant 0 : i32
    return %arg0, %c0_i32 : i32, i32
  }
}

module attributes {stable_mosaic.version = 14 : i64} {
  func.func @body(%arg0: i32, %arg1: memref<128x32x128xf32, #tpu.memory_space<vmem>>, %arg2: memref<128x128xf32, #tpu.memory_space<vmem>>, %arg3: memref<128x1xf32, #tpu.memory_space<vmem>>, %arg4: memref<50x64x128xf32, #tpu.memory_space<vmem>>) attributes {dimension_semantics = [#tpu.dimension_semantics<arbitrary>], iteration_bounds = array<i64: 128>, scalar_prefetch = 0 : i64, scratch_operands = 0 : i64, tpu.core_type = #tpu.core_type<tc>, window_params = [{transform_indices = @transform_0, window_bounds = array<i64: 128, 32, 128>}, {pipeline_mode = #tpu.pipeline_mode<synchronous>, transform_indices = @transform_1, window_bounds = array<i64: 128, 128>}, {pipeline_mode = #tpu.pipeline_mode<synchronous>, transform_indices = @transform_2, window_bounds = array<i64: 128, 1>}, {transform_indices = @transform_3, window_bounds = array<i64: 50, 64, 128>}]} {
    %get3A = arith.constant 0 : index
    %get3A_0 = arith.constant 0 : index
    %get3A_1 = arith.constant 0 : index
    %get3A_2 = vector.load %arg1[%get3A, %get3A_0, %get3A_1] : memref<128x32x128xf32, #tpu.memory_space<vmem>>, vector<128x32x128xf32>
    %get3A_3 = arith.constant 0 : index
    %get3A_4 = arith.constant 0 : index
    %get3A_5 = vector.load %arg2[%get3A_3, %get3A_4] : memref<128x128xf32, #tpu.memory_space<vmem>>, vector<128x128xf32>
    %get3A_6 = arith.constant 0 : index
    %get3A_7 = arith.constant 0 : index
    %get3A_8 = vector.load %arg3[%get3A_6, %get3A_7] : memref<128x1xf32, #tpu.memory_space<vmem>>, vector<128x1xf32>
    %slice3A = vector.extract_strided_slice %get3A_2 {offsets = [0, 0, 0], sizes = [128, 1, 128], strides = [1, 1, 1]} : vector<128x32x128xf32> to vector<128x1x128xf32>
    %squeeze3A = vector.shape_cast %slice3A : vector<128x1x128xf32> to vector<128x128xf32>
    %dot_general3A = arith.constant dense<0.000000e+00> : vector<128x128xf32>
    %dot_general3A_9 = tpu.matmul %get3A_5, %squeeze3A, %dot_general3A {dimension_numbers = #tpu.dot_dimension_numbers<[1], [1], [0], [0], [0, 0, 1, 0], [], []>, transpose_lhs_hint = false} : vector<128x128xf32>, vector<128x128xf32>, vector<128x128xf32> -> vector<128x128xf32>
    %add3A = vector.broadcast %get3A_8 : vector<128x1xf32> to vector<128x128xf32>
    %add3A_10 = arith.addf %dot_general3A_9, %add3A : vector<128x128xf32>
    %mul3A = arith.constant 5.000000e-01 : f32
    %mul3A_11 = vector.broadcast %mul3A : f32 to vector<128x128xf32>
    %mul3A_12 = arith.mulf %add3A_10, %mul3A_11 : vector<128x128xf32>
    %mul3A_13 = arith.constant 0.707106769 : f32
    %mul3A_14 = vector.broadcast %mul3A_13 : f32 to vector<128x128xf32>
    %mul3A_15 = arith.mulf %add3A_10, %mul3A_14 : vector<128x128xf32>
    %erf3A = math.erf %mul3A_15 : vector<128x128xf32>
    %add3A_16 = arith.constant 1.000000e+00 : f32
    %add3A_17 = vector.broadcast %add3A_16 : f32 to vector<128x128xf32>
    %add3A_18 = arith.addf %add3A_17, %erf3A : vector<128x128xf32>
    %mul3A_19 = arith.mulf %mul3A_12, %add3A_18 : vector<128x128xf32>
    %slice3A_20 = vector.extract_strided_slice %mul3A_19 {offsets = [0, 0], sizes = [64, 128], strides = [1, 1]} : vector<128x128xf32> to vector<64x128xf32>
    %swap3A = arith.constant 0 : index
    %swap3A_21 = arith.constant 0 : index
    %swap3A_22 = arith.constant 0 : index
    %swap3A_23 = vector.load %arg4[%swap3A, %swap3A_21, %swap3A_22] : memref<50x64x128xf32, #tpu.memory_space<vmem>>, vector<1x64x128xf32>
    %swap3A_24 = vector.shape_cast %swap3A_23 : vector<1x64x128xf32> to vector<64x128xf32>
    %swap3A_25 = vector.shape_cast %slice3A_20 : vector<64x128xf32> to vector<1x64x128xf32>
    tpu.vector_store %arg4[%swap3A, %swap3A_21, %swap3A_22], %swap3A_25 {strides = array<i32>} : memref<50x64x128xf32, #tpu.memory_space<vmem>>, vector<1x64x128xf32>,
    %slice3A_26 = vector.extract_strided_slice %mul3A_19 {offsets = [64, 0], sizes = [64, 128], strides = [1, 1]} : vector<128x128xf32> to vector<64x128xf32>
    %swap3A_27 = arith.constant 1 : index
    %swap3A_28 = arith.constant 0 : index
    %swap3A_29 = arith.constant 0 : index
    %swap3A_30 = vector.load %arg4[%swap3A_27, %swap3A_28, %swap3A_29] : memref<50x64x128xf32, #tpu.memory_space<vmem>>, vector<1x64x128xf32>
    %swap3A_31 = vector.shape_cast %swap3A_30 : vector<1x64x128xf32> to vector<64x128xf32>
    %swap3A_32 = vector.shape_cast %slice3A_26 : vector<64x128xf32> to vector<1x64x128xf32>
    tpu.vector_store %arg4[%swap3A_27, %swap3A_28, %swap3A_29], %swap3A_32 {strides = array<i32>} : memref<50x64x128xf32, #tpu.memory_space<vmem>>, vector<1x64x128xf32>,
    %slice3A_33 = vector.extract_strided_slice %get3A_2 {offsets = [0, 1, 0], sizes = [128, 1, 128], strides = [1, 1, 1]} : vector<128x32x128xf32> to vector<128x1x128xf32>
    %squeeze3A_34 = vector.shape_cast %slice3A_33 : vector<128x1x128xf32> to vector<128x128xf32>
    %dot_general3A_35 = arith.constant dense<0.000000e+00> : vector<128x128xf32>
    %dot_general3A_36 = tpu.matmul %get3A_5, %squeeze3A_34, %dot_general3A_35 {dimension_numbers = #tpu.dot_dimension_numbers<[1], [1], [0], [0], [0, 0, 1, 0], [], []>, transpose_lhs_hint = false} : vector<128x128xf32>, vector<128x128xf32>, vector<128x128xf32> -> vector<128x128xf32>
    %add3A_37 = vector.broadcast %get3A_8 : vector<128x1xf32> to vector<128x128xf32>
    %add3A_38 = arith.addf %dot_general3A_36, %add3A_37 : vector<128x128xf32>
    %mul3A_39 = arith.constant 5.000000e-01 : f32
    %mul3A_40 = vector.broadcast %mul3A_39 : f32 to vector<128x128xf32>
    %mul3A_41 = arith.mulf %add3A_38, %mul3A_40 : vector<128x128xf32>
    %mul3A_42 = arith.constant 0.707106769 : f32
    %mul3A_43 = vector.broadcast %mul3A_42 : f32 to vector<128x128xf32>
    %mul3A_44 = arith.mulf %add3A_38, %mul3A_43 : vector<128x128xf32>
    %erf3A_45 = math.erf %mul3A_44 : vector<128x128xf32>
    %add3A_46 = arith.constant 1.000000e+00 : f32
    %add3A_47 = vector.broadcast %add3A_46 : f32 to vector<128x128xf32>
    %add3A_48 = arith.addf %add3A_47, %erf3A_45 : vector<128x128xf32>
    %mul3A_49 = arith.mulf %mul3A_41, %add3A_48 : vector<128x128xf32>
    %slice3A_50 = vector.extract_strided_slice %mul3A_49 {offsets = [0, 0], sizes = [64, 128], strides = [1, 1]} : vector<128x128xf32> to vector<64x128xf32>
    %swap3A_51 = arith.constant 2 : index
    %swap3A_52 = arith.constant 0 : index
    %swap3A_53 = arith.constant 0 : index
    %swap3A_54 = vector.load %arg4[%swap3A_51, %swap3A_52, %swap3A_53] : memref<50x64x128xf32, #tpu.memory_space<vmem>>, vector<1x64x128xf32>
    %swap3A_55 = vector.shape_cast %swap3A_54 : vector<1x64x128xf32> to vector<64x128xf32>
    %swap3A_56 = vector.shape_cast %slice3A_50 : vector<64x128xf32> to vector<1x64x128xf32>
    tpu.vector_store %arg4[%swap3A_51, %swap3A_52, %swap3A_53], %swap3A_56 {strides = array<i32>} : memref<50x64x128xf32, #tpu.memory_space<vmem>>, vector<1x64x128xf32>,
    %slice3A_57 = vector.extract_strided_slice %mul3A_49 {offsets = [64, 0], sizes = [64, 128], strides = [1, 1]} : vector<128x128xf32> to vector<64x128xf32>
    %swap3A_58 = arith.constant 3 : index
    %swap3A_59 = arith.constant 0 : index
    %swap3A_60 = arith.constant 0 : index
    %swap3A_61 = vector.load %arg4[%swap3A_58, %swap3A_59, %swap3A_60] : memref<50x64x128xf32, #tpu.memory_space<vmem>>, vector<1x64x128xf32>
    %swap3A_62 = vector.shape_cast %swap3A_61 : vector<1x64x128xf32> to vector<64x128xf32>
    %swap3A_63 = vector.shape_cast %slice3A_57 : vector<64x128xf32> to vector<1x64x128xf32>
    tpu.vector_store %arg4[%swap3A_58, %swap3A_59, %swap3A_60], %swap3A_63 {strides = array<i32>} : memref<50x64x128xf32, #tpu.memory_space<vmem>>, vector<1x64x128xf32>,
    %slice3A_64 = vector.extract_strided_slice %get3A_2 {offsets = [0, 2, 0], sizes = [128, 1, 128], strides = [1, 1, 1]} : vector<128x32x128xf32> to vector<128x1x128xf32>
    %squeeze3A_65 = vector.shape_cast %slice3A_64 : vector<128x1x128xf32> to vector<128x128xf32>
    %dot_general3A_66 = arith.constant dense<0.000000e+00> : vector<128x128xf32>
    %dot_general3A_67 = tpu.matmul %get3A_5, %squeeze3A_65, %dot_general3A_66 {dimension_numbers = #tpu.dot_dimension_numbers<[1], [1], [0], [0], [0, 0, 1, 0], [], []>, transpose_lhs_hint = false} : vector<128x128xf32>, vector<128x128xf32>, vector<128x128xf32> -> vector<128x128xf32>
    %add3A_68 = vector.broadcast %get3A_8 : vector<128x1xf32> to vector<128x128xf32>
    %add3A_69 = arith.addf %dot_general3A_67, %add3A_68 : vector<128x128xf32>
    %mul3A_70 = arith.constant 5.000000e-01 : f32
    %mul3A_71 = vector.broadcast %mul3A_70 : f32 to vector<128x128xf32>
    %mul3A_72 = arith.mulf %add3A_69, %mul3A_71 : vector<128x128xf32>
    %mul3A_73 = arith.constant 0.707106769 : f32
    %mul3A_74 = vector.broadcast %mul3A_73 : f32 to vector<128x128xf32>
    %mul3A_75 = arith.mulf %add3A_69, %mul3A_74 : vector<128x128xf32>
    %erf3A_76 = math.erf %mul3A_75 : vector<128x128xf32>
    %add3A_77 = arith.constant 1.000000e+00 : f32
    %add3A_78 = vector.broadcast %add3A_77 : f32 to vector<128x128xf32>
    %add3A_79 = arith.addf %add3A_78, %erf3A_76 : vector<128x128xf32>
    %mul3A_80 = arith.mulf %mul3A_72, %add3A_79 : vector<128x128xf32>
    %slice3A_81 = vector.extract_strided_slice %mul3A_80 {offsets = [0, 0], sizes = [64, 128], strides = [1, 1]} : vector<128x128xf32> to vector<64x128xf32>
    %swap3A_82 = arith.constant 4 : index
    %swap3A_83 = arith.constant 0 : index
    %swap3A_84 = arith.constant 0 : index
    %swap3A_85 = vector.load %arg4[%swap3A_82, %swap3A_83, %swap3A_84] : memref<50x64x128xf32, #tpu.memory_space<vmem>>, vector<1x64x128xf32>
    %swap3A_86 = vector.shape_cast %swap3A_85 : vector<1x64x128xf32> to vector<64x128xf32>
    %swap3A_87 = vector.shape_cast %slice3A_81 : vector<64x128xf32> to vector<1x64x128xf32>
    tpu.vector_store %arg4[%swap3A_82, %swap3A_83, %swap3A_84], %swap3A_87 {strides = array<i32>} : memref<50x64x128xf32, #tpu.memory_space<vmem>>, vector<1x64x128xf32>,
    %slice3A_88 = vector.extract_strided_slice %mul3A_80 {offsets = [64, 0], sizes = [64, 128], strides = [1, 1]} : vector<128x128xf32> to vector<64x128xf32>
    %swap3A_89 = arith.constant 5 : index
    %swap3A_90 = arith.constant 0 : index
    %swap3A_91 = arith.constant 0 : index
    %swap3A_92 = vector.load %arg4[%swap3A_89, %swap3A_90, %swap3A_91] : memref<50x64x128xf32, #tpu.memory_space<vmem>>, vector<1x64x128xf32>
    %swap3A_93 = vector.shape_cast %swap3A_92 : vector<1x64x128xf32> to vector<64x128xf32>
    %swap3A_94 = vector.shape_cast %slice3A_88 : vector<64x128xf32> to vector<1x64x128xf32>
    tpu.vector_store %arg4[%swap3A_89, %swap3A_90, %swap3A_91], %swap3A_94 {strides = array<i32>} : memref<50x64x128xf32, #tpu.memory_space<vmem>>, vector<1x64x128xf32>,
    %slice3A_95 = vector.extract_strided_slice %get3A_2 {offsets = [0, 3, 0], sizes = [128, 1, 128], strides = [1, 1, 1]} : vector<128x32x128xf32> to vector<128x1x128xf32>
    %squeeze3A_96 = vector.shape_cast %slice3A_95 : vector<128x1x128xf32> to vector<128x128xf32>
    %dot_general3A_97 = arith.constant dense<0.000000e+00> : vector<128x128xf32>
    %dot_general3A_98 = tpu.matmul %get3A_5, %squeeze3A_96, %dot_general3A_97 {dimension_numbers = #tpu.dot_dimension_numbers<[1], [1], [0], [0], [0, 0, 1, 0], [], []>, transpose_lhs_hint = false} : vector<128x128xf32>, vector<128x128xf32>, vector<128x128xf32> -> vector<128x128xf32>
    %add3A_99 = vector.broadcast %get3A_8 : vector<128x1xf32> to vector<128x128xf32>
    %add3A_100 = arith.addf %dot_general3A_98, %add3A_99 : vector<128x128xf32>
    %mul3A_101 = arith.constant 5.000000e-01 : f32
    %mul3A_102 = vector.broadcast %mul3A_101 : f32 to vector<128x128xf32>
    %mul3A_103 = arith.mulf %add3A_100, %mul3A_102 : vector<128x128xf32>
    %mul3A_104 = arith.constant 0.707106769 : f32
    %mul3A_105 = vector.broadcast %mul3A_104 : f32 to vector<128x128xf32>
    %mul3A_106 = arith.mulf %add3A_100, %mul3A_105 : vector<128x128xf32>
    %erf3A_107 = math.erf %mul3A_106 : vector<128x128xf32>
    %add3A_108 = arith.constant 1.000000e+00 : f32
    %add3A_109 = vector.broadcast %add3A_108 : f32 to vector<128x128xf32>
    %add3A_110 = arith.addf %add3A_109, %erf3A_107 : vector<128x128xf32>
    %mul3A_111 = arith.mulf %mul3A_103, %add3A_110 : vector<128x128xf32>
    %slice3A_112 = vector.extract_strided_slice %mul3A_111 {offsets = [0, 0], sizes = [64, 128], strides = [1, 1]} : vector<128x128xf32> to vector<64x128xf32>
    %swap3A_113 = arith.constant 6 : index
    %swap3A_114 = arith.constant 0 : index
    %swap3A_115 = arith.constant 0 : index
    %swap3A_116 = vector.load %arg4[%swap3A_113, %swap3A_114, %swap3A_115] : memref<50x64x128xf32, #tpu.memory_space<vmem>>, vector<1x64x128xf32>
    %swap3A_117 = vector.shape_cast %swap3A_116 : vector<1x64x128xf32> to vector<64x128xf32>
    %swap3A_118 = vector.shape_cast %slice3A_112 : vector<64x128xf32> to vector<1x64x128xf32>
    tpu.vector_store %arg4[%swap3A_113, %swap3A_114, %swap3A_115], %swap3A_118 {strides = array<i32>} : memref<50x64x128xf32, #tpu.memory_space<vmem>>, vector<1x64x128xf32>,
    %slice3A_119 = vector.extract_strided_slice %mul3A_111 {offsets = [64, 0], sizes = [64, 128], strides = [1, 1]} : vector<128x128xf32> to vector<64x128xf32>
    %swap3A_120 = arith.constant 7 : index
    %swap3A_121 = arith.constant 0 : index
    %swap3A_122 = arith.constant 0 : index
    %swap3A_123 = vector.load %arg4[%swap3A_120, %swap3A_121, %swap3A_122] : memref<50x64x128xf32, #tpu.memory_space<vmem>>, vector<1x64x128xf32>
    %swap3A_124 = vector.shape_cast %swap3A_123 : vector<1x64x128xf32> to vector<64x128xf32>
    %swap3A_125 = vector.shape_cast %slice3A_119 : vector<64x128xf32> to vector<1x64x128xf32>
    tpu.vector_store %arg4[%swap3A_120, %swap3A_121, %swap3A_122], %swap3A_125 {strides = array<i32>} : memref<50x64x128xf32, #tpu.memory_space<vmem>>, vector<1x64x128xf32>,
    %slice3A_126 = vector.extract_strided_slice %get3A_2 {offsets = [0, 4, 0], sizes = [128, 1, 128], strides = [1, 1, 1]} : vector<128x32x128xf32> to vector<128x1x128xf32>
    %squeeze3A_127 = vector.shape_cast %slice3A_126 : vector<128x1x128xf32> to vector<128x128xf32>
    %dot_general3A_128 = arith.constant dense<0.000000e+00> : vector<128x128xf32>
    %dot_general3A_129 = tpu.matmul %get3A_5, %squeeze3A_127, %dot_general3A_128 {dimension_numbers = #tpu.dot_dimension_numbers<[1], [1], [0], [0], [0, 0, 1, 0], [], []>, transpose_lhs_hint = false} : vector<128x128xf32>, vector<128x128xf32>, vector<128x128xf32> -> vector<128x128xf32>
    %add3A_130 = vector.broadcast %get3A_8 : vector<128x1xf32> to vector<128x128xf32>
    %add3A_131 = arith.addf %dot_general3A_129, %add3A_130 : vector<128x128xf32>
    %mul3A_132 = arith.constant 5.000000e-01 : f32
    %mul3A_133 = vector.broadcast %mul3A_132 : f32 to vector<128x128xf32>
    %mul3A_134 = arith.mulf %add3A_131, %mul3A_133 : vector<128x128xf32>
    %mul3A_135 = arith.constant 0.707106769 : f32
    %mul3A_136 = vector.broadcast %mul3A_135 : f32 to vector<128x128xf32>
    %mul3A_137 = arith.mulf %add3A_131, %mul3A_136 : vector<128x128xf32>
    %erf3A_138 = math.erf %mul3A_137 : vector<128x128xf32>
    %add3A_139 = arith.constant 1.000000e+00 : f32
    %add3A_140 = vector.broadcast %add3A_139 : f32 to vector<128x128xf32>
    %add3A_141 = arith.addf %add3A_140, %erf3A_138 : vector<128x128xf32>
    %mul3A_142 = arith.mulf %mul3A_134, %add3A_141 : vector<128x128xf32>
    %slice3A_143 = vector.extract_strided_slice %mul3A_142 {offsets = [0, 0], sizes = [64, 128], strides = [1, 1]} : vector<128x128xf32> to vector<64x128xf32>
    %swap3A_144 = arith.constant 8 : index
    %swap3A_145 = arith.constant 0 : index
    %swap3A_146 = arith.constant 0 : index
    %swap3A_147 = vector.load %arg4[%swap3A_144, %swap3A_145, %swap3A_146] : memref<50x64x128xf32, #tpu.memory_space<vmem>>, vector<1x64x128xf32>
    %swap3A_148 = vector.shape_cast %swap3A_147 : vector<1x64x128xf32> to vector<64x128xf32>
    %swap3A_149 = vector.shape_cast %slice3A_143 : vector<64x128xf32> to vector<1x64x128xf32>
    tpu.vector_store %arg4[%swap3A_144, %swap3A_145, %swap3A_146], %swap3A_149 {strides = array<i32>} : memref<50x64x128xf32, #tpu.memory_space<vmem>>, vector<1x64x128xf32>,
    %slice3A_150 = vector.extract_strided_slice %mul3A_142 {offsets = [64, 0], sizes = [64, 128], strides = [1, 1]} : vector<128x128xf32> to vector<64x128xf32>
    %swap3A_151 = arith.constant 9 : index
    %swap3A_152 = arith.constant 0 : index
    %swap3A_153 = arith.constant 0 : index
    %swap3A_154 = vector.load %arg4[%swap3A_151, %swap3A_152, %swap3A_153] : memref<50x64x128xf32, #tpu.memory_space<vmem>>, vector<1x64x128xf32>
    %swap3A_155 = vector.shape_cast %swap3A_154 : vector<1x64x128xf32> to vector<64x128xf32>
    %swap3A_156 = vector.shape_cast %slice3A_150 : vector<64x128xf32> to vector<1x64x128xf32>
    tpu.vector_store %arg4[%swap3A_151, %swap3A_152, %swap3A_153], %swap3A_156 {strides = array<i32>} : memref<50x64x128xf32, #tpu.memory_space<vmem>>, vector<1x64x128xf32>,
    %slice3A_157 = vector.extract_strided_slice %get3A_2 {offsets = [0, 5, 0], sizes = [128, 1, 128], strides = [1, 1, 1]} : vector<128x32x128xf32> to vector<128x1x128xf32>
    %squeeze3A_158 = vector.shape_cast %slice3A_157 : vector<128x1x128xf32> to vector<128x128xf32>
    %dot_general3A_159 = arith.constant dense<0.000000e+00> : vector<128x128xf32>
    %dot_general3A_160 = tpu.matmul %get3A_5, %squeeze3A_158, %dot_general3A_159 {dimension_numbers = #tpu.dot_dimension_numbers<[1], [1], [0], [0], [0, 0, 1, 0], [], []>, transpose_lhs_hint = false} : vector<128x128xf32>, vector<128x128xf32>, vector<128x128xf32> -> vector<128x128xf32>
    %add3A_161 = vector.broadcast %get3A_8 : vector<128x1xf32> to vector<128x128xf32>
    %add3A_162 = arith.addf %dot_general3A_160, %add3A_161 : vector<128x128xf32>
    %mul3A_163 = arith.constant 5.000000e-01 : f32
    %mul3A_164 = vector.broadcast %mul3A_163 : f32 to vector<128x128xf32>
    %mul3A_165 = arith.mulf %add3A_162, %mul3A_164 : vector<128x128xf32>
    %mul3A_166 = arith.constant 0.707106769 : f32
    %mul3A_167 = vector.broadcast %mul3A_166 : f32 to vector<128x128xf32>
    %mul3A_168 = arith.mulf %add3A_162, %mul3A_167 : vector<128x128xf32>
    %erf3A_169 = math.erf %mul3A_168 : vector<128x128xf32>
    %add3A_170 = arith.constant 1.000000e+00 : f32
    %add3A_171 = vector.broadcast %add3A_170 : f32 to vector<128x128xf32>
    %add3A_172 = arith.addf %add3A_171, %erf3A_169 : vector<128x128xf32>
    %mul3A_173 = arith.mulf %mul3A_165, %add3A_172 : vector<128x128xf32>
    %slice3A_174 = vector.extract_strided_slice %mul3A_173 {offsets = [0, 0], sizes = [64, 128], strides = [1, 1]} : vector<128x128xf32> to vector<64x128xf32>
    %swap3A_175 = arith.constant 10 : index
    %swap3A_176 = arith.constant 0 : index
    %swap3A_177 = arith.constant 0 : index
    %swap3A_178 = vector.load %arg4[%swap3A_175, %swap3A_176, %swap3A_177] : memref<50x64x128xf32, #tpu.memory_space<vmem>>, vector<1x64x128xf32>
    %swap3A_179 = vector.shape_cast %swap3A_178 : vector<1x64x128xf32> to vector<64x128xf32>
    %swap3A_180 = vector.shape_cast %slice3A_174 : vector<64x128xf32> to vector<1x64x128xf32>
    tpu.vector_store %arg4[%swap3A_175, %swap3A_176, %swap3A_177], %swap3A_180 {strides = array<i32>} : memref<50x64x128xf32, #tpu.memory_space<vmem>>, vector<1x64x128xf32>,
    %slice3A_181 = vector.extract_strided_slice %mul3A_173 {offsets = [64, 0], sizes = [64, 128], strides = [1, 1]} : vector<128x128xf32> to vector<64x128xf32>
    %swap3A_182 = arith.constant 11 : index
    %swap3A_183 = arith.constant 0 : index
    %swap3A_184 = arith.constant 0 : index
    %swap3A_185 = vector.load %arg4[%swap3A_182, %swap3A_183, %swap3A_184] : memref<50x64x128xf32, #tpu.memory_space<vmem>>, vector<1x64x128xf32>
    %swap3A_186 = vector.shape_cast %swap3A_185 : vector<1x64x128xf32> to vector<64x128xf32>
    %swap3A_187 = vector.shape_cast %slice3A_181 : vector<64x128xf32> to vector<1x64x128xf32>
    tpu.vector_store %arg4[%swap3A_182, %swap3A_183, %swap3A_184], %swap3A_187 {strides = array<i32>} : memref<50x64x128xf32, #tpu.memory_space<vmem>>, vector<1x64x128xf32>,
    %slice3A_188 = vector.extract_strided_slice %get3A_2 {offsets = [0, 6, 0], sizes = [128, 1, 128], strides = [1, 1, 1]} : vector<128x32x128xf32> to vector<128x1x128xf32>
    %squeeze3A_189 = vector.shape_cast %slice3A_188 : vector<128x1x128xf32> to vector<128x128xf32>
    %dot_general3A_190 = arith.constant dense<0.000000e+00> : vector<128x128xf32>
    %dot_general3A_191 = tpu.matmul %get3A_5, %squeeze3A_189, %dot_general3A_190 {dimension_numbers = #tpu.dot_dimension_numbers<[1], [1], [0], [0], [0, 0, 1, 0], [], []>, transpose_lhs_hint = false} : vector<128x128xf32>, vector<128x128xf32>, vector<128x128xf32> -> vector<128x128xf32>
    %add3A_192 = vector.broadcast %get3A_8 : vector<128x1xf32> to vector<128x128xf32>
    %add3A_193 = arith.addf %dot_general3A_191, %add3A_192 : vector<128x128xf32>
    %mul3A_194 = arith.constant 5.000000e-01 : f32
    %mul3A_195 = vector.broadcast %mul3A_194 : f32 to vector<128x128xf32>
    %mul3A_196 = arith.mulf %add3A_193, %mul3A_195 : vector<128x128xf32>
    %mul3A_197 = arith.constant 0.707106769 : f32
    %mul3A_198 = vector.broadcast %mul3A_197 : f32 to vector<128x128xf32>
    %mul3A_199 = arith.mulf %add3A_193, %mul3A_198 : vector<128x128xf32>
    %erf3A_200 = math.erf %mul3A_199 : vector<128x128xf32>
    %add3A_201 = arith.constant 1.000000e+00 : f32
    %add3A_202 = vector.broadcast %add3A_201 : f32 to vector<128x128xf32>
    %add3A_203 = arith.addf %add3A_202, %erf3A_200 : vector<128x128xf32>
    %mul3A_204 = arith.mulf %mul3A_196, %add3A_203 : vector<128x128xf32>
    %slice3A_205 = vector.extract_strided_slice %mul3A_204 {offsets = [0, 0], sizes = [64, 128], strides = [1, 1]} : vector<128x128xf32> to vector<64x128xf32>
    %swap3A_206 = arith.constant 12 : index
    %swap3A_207 = arith.constant 0 : index
    %swap3A_208 = arith.constant 0 : index
    %swap3A_209 = vector.load %arg4[%swap3A_206, %swap3A_207, %swap3A_208] : memref<50x64x128xf32, #tpu.memory_space<vmem>>, vector<1x64x128xf32>
    %swap3A_210 = vector.shape_cast %swap3A_209 : vector<1x64x128xf32> to vector<64x128xf32>
    %swap3A_211 = vector.shape_cast %slice3A_205 : vector<64x128xf32> to vector<1x64x128xf32>
    tpu.vector_store %arg4[%swap3A_206, %swap3A_207, %swap3A_208], %swap3A_211 {strides = array<i32>} : memref<50x64x128xf32, #tpu.memory_space<vmem>>, vector<1x64x128xf32>,
    %slice3A_212 = vector.extract_strided_slice %mul3A_204 {offsets = [64, 0], sizes = [64, 128], strides = [1, 1]} : vector<128x128xf32> to vector<64x128xf32>
    %swap3A_213 = arith.constant 13 : index
    %swap3A_214 = arith.constant 0 : index
    %swap3A_215 = arith.constant 0 : index
    %swap3A_216 = vector.load %arg4[%swap3A_213, %swap3A_214, %swap3A_215] : memref<50x64x128xf32, #tpu.memory_space<vmem>>, vector<1x64x128xf32>
    %swap3A_217 = vector.shape_cast %swap3A_216 : vector<1x64x128xf32> to vector<64x128xf32>
    %swap3A_218 = vector.shape_cast %slice3A_212 : vector<64x128xf32> to vector<1x64x128xf32>
    tpu.vector_store %arg4[%swap3A_213, %swap3A_214, %swap3A_215], %swap3A_218 {strides = array<i32>} : memref<50x64x128xf32, #tpu.memory_space<vmem>>, vector<1x64x128xf32>,
    %slice3A_219 = vector.extract_strided_slice %get3A_2 {offsets = [0, 7, 0], sizes = [128, 1, 128], strides = [1, 1, 1]} : vector<128x32x128xf32> to vector<128x1x128xf32>
    %squeeze3A_220 = vector.shape_cast %slice3A_219 : vector<128x1x128xf32> to vector<128x128xf32>
    %dot_general3A_221 = arith.constant dense<0.000000e+00> : vector<128x128xf32>
    %dot_general3A_222 = tpu.matmul %get3A_5, %squeeze3A_220, %dot_general3A_221 {dimension_numbers = #tpu.dot_dimension_numbers<[1], [1], [0], [0], [0, 0, 1, 0], [], []>, transpose_lhs_hint = false} : vector<128x128xf32>, vector<128x128xf32>, vector<128x128xf32> -> vector<128x128xf32>
    %add3A_223 = vector.broadcast %get3A_8 : vector<128x1xf32> to vector<128x128xf32>
    %add3A_224 = arith.addf %dot_general3A_222, %add3A_223 : vector<128x128xf32>
    %mul3A_225 = arith.constant 5.000000e-01 : f32
    %mul3A_226 = vector.broadcast %mul3A_225 : f32 to vector<128x128xf32>
    %mul3A_227 = arith.mulf %add3A_224, %mul3A_226 : vector<128x128xf32>
    %mul3A_228 = arith.constant 0.707106769 : f32
    %mul3A_229 = vector.broadcast %mul3A_228 : f32 to vector<128x128xf32>
    %mul3A_230 = arith.mulf %add3A_224, %mul3A_229 : vector<128x128xf32>
    %erf3A_231 = math.erf %mul3A_230 : vector<128x128xf32>
    %add3A_232 = arith.constant 1.000000e+00 : f32
    %add3A_233 = vector.broadcast %add3A_232 : f32 to vector<128x128xf32>
    %add3A_234 = arith.addf %add3A_233, %erf3A_231 : vector<128x128xf32>
    %mul3A_235 = arith.mulf %mul3A_227, %add3A_234 : vector<128x128xf32>
    %slice3A_236 = vector.extract_strided_slice %mul3A_235 {offsets = [0, 0], sizes = [64, 128], strides = [1, 1]} : vector<128x128xf32> to vector<64x128xf32>
    %swap3A_237 = arith.constant 14 : index
    %swap3A_238 = arith.constant 0 : index
    %swap3A_239 = arith.constant 0 : index
    %swap3A_240 = vector.load %arg4[%swap3A_237, %swap3A_238, %swap3A_239] : memref<50x64x128xf32, #tpu.memory_space<vmem>>, vector<1x64x128xf32>
    %swap3A_241 = vector.shape_cast %swap3A_240 : vector<1x64x128xf32> to vector<64x128xf32>
    %swap3A_242 = vector.shape_cast %slice3A_236 : vector<64x128xf32> to vector<1x64x128xf32>
    tpu.vector_store %arg4[%swap3A_237, %swap3A_238, %swap3A_239], %swap3A_242 {strides = array<i32>} : memref<50x64x128xf32, #tpu.memory_space<vmem>>, vector<1x64x128xf32>,
    %slice3A_243 = vector.extract_strided_slice %mul3A_235 {offsets = [64, 0], sizes = [64, 128], strides = [1, 1]} : vector<128x128xf32> to vector<64x128xf32>
    %swap3A_244 = arith.constant 15 : index
    %swap3A_245 = arith.constant 0 : index
    %swap3A_246 = arith.constant 0 : index
    %swap3A_247 = vector.load %arg4[%swap3A_244, %swap3A_245, %swap3A_246] : memref<50x64x128xf32, #tpu.memory_space<vmem>>, vector<1x64x128xf32>
    %swap3A_248 = vector.shape_cast %swap3A_247 : vector<1x64x128xf32> to vector<64x128xf32>
    %swap3A_249 = vector.shape_cast %slice3A_243 : vector<64x128xf32> to vector<1x64x128xf32>
    tpu.vector_store %arg4[%swap3A_244, %swap3A_245, %swap3A_246], %swap3A_249 {strides = array<i32>} : memref<50x64x128xf32, #tpu.memory_space<vmem>>, vector<1x64x128xf32>,
    %slice3A_250 = vector.extract_strided_slice %get3A_2 {offsets = [0, 8, 0], sizes = [128, 1, 128], strides = [1, 1, 1]} : vector<128x32x128xf32> to vector<128x1x128xf32>
    %squeeze3A_251 = vector.shape_cast %slice3A_250 : vector<128x1x128xf32> to vector<128x128xf32>
    %dot_general3A_252 = arith.constant dense<0.000000e+00> : vector<128x128xf32>
    %dot_general3A_253 = tpu.matmul %get3A_5, %squeeze3A_251, %dot_general3A_252 {dimension_numbers = #tpu.dot_dimension_numbers<[1], [1], [0], [0], [0, 0, 1, 0], [], []>, transpose_lhs_hint = false} : vector<128x128xf32>, vector<128x128xf32>, vector<128x128xf32> -> vector<128x128xf32>
    %add3A_254 = vector.broadcast %get3A_8 : vector<128x1xf32> to vector<128x128xf32>
    %add3A_255 = arith.addf %dot_general3A_253, %add3A_254 : vector<128x128xf32>
    %mul3A_256 = arith.constant 5.000000e-01 : f32
    %mul3A_257 = vector.broadcast %mul3A_256 : f32 to vector<128x128xf32>
    %mul3A_258 = arith.mulf %add3A_255, %mul3A_257 : vector<128x128xf32>
    %mul3A_259 = arith.constant 0.707106769 : f32
    %mul3A_260 = vector.broadcast %mul3A_259 : f32 to vector<128x128xf32>
    %mul3A_261 = arith.mulf %add3A_255, %mul3A_260 : vector<128x128xf32>
    %erf3A_262 = math.erf %mul3A_261 : vector<128x128xf32>
    %add3A_263 = arith.constant 1.000000e+00 : f32
    %add3A_264 = vector.broadcast %add3A_263 : f32 to vector<128x128xf32>
    %add3A_265 = arith.addf %add3A_264, %erf3A_262 : vector<128x128xf32>
    %mul3A_266 = arith.mulf %mul3A_258, %add3A_265 : vector<128x128xf32>
    %slice3A_267 = vector.extract_strided_slice %mul3A_266 {offsets = [0, 0], sizes = [64, 128], strides = [1, 1]} : vector<128x128xf32> to vector<64x128xf32>
    %swap3A_268 = arith.constant 16 : index
    %swap3A_269 = arith.constant 0 : index
    %swap3A_270 = arith.constant 0 : index
    %swap3A_271 = vector.load %arg4[%swap3A_268, %swap3A_269, %swap3A_270] : memref<50x64x128xf32, #tpu.memory_space<vmem>>, vector<1x64x128xf32>
    %swap3A_272 = vector.shape_cast %swap3A_271 : vector<1x64x128xf32> to vector<64x128xf32>
    %swap3A_273 = vector.shape_cast %slice3A_267 : vector<64x128xf32> to vector<1x64x128xf32>
    tpu.vector_store %arg4[%swap3A_268, %swap3A_269, %swap3A_270], %swap3A_273 {strides = array<i32>} : memref<50x64x128xf32, #tpu.memory_space<vmem>>, vector<1x64x128xf32>,
    %slice3A_274 = vector.extract_strided_slice %mul3A_266 {offsets = [64, 0], sizes = [64, 128], strides = [1, 1]} : vector<128x128xf32> to vector<64x128xf32>
    %swap3A_275 = arith.constant 17 : index
    %swap3A_276 = arith.constant 0 : index
    %swap3A_277 = arith.constant 0 : index
    %swap3A_278 = vector.load %arg4[%swap3A_275, %swap3A_276, %swap3A_277] : memref<50x64x128xf32, #tpu.memory_space<vmem>>, vector<1x64x128xf32>
    %swap3A_279 = vector.shape_cast %swap3A_278 : vector<1x64x128xf32> to vector<64x128xf32>
    %swap3A_280 = vector.shape_cast %slice3A_274 : vector<64x128xf32> to vector<1x64x128xf32>
    tpu.vector_store %arg4[%swap3A_275, %swap3A_276, %swap3A_277], %swap3A_280 {strides = array<i32>} : memref<50x64x128xf32, #tpu.memory_space<vmem>>, vector<1x64x128xf32>,
    %slice3A_281 = vector.extract_strided_slice %get3A_2 {offsets = [0, 9, 0], sizes = [128, 1, 128], strides = [1, 1, 1]} : vector<128x32x128xf32> to vector<128x1x128xf32>
    %squeeze3A_282 = vector.shape_cast %slice3A_281 : vector<128x1x128xf32> to vector<128x128xf32>
    %dot_general3A_283 = arith.constant dense<0.000000e+00> : vector<128x128xf32>
    %dot_general3A_284 = tpu.matmul %get3A_5, %squeeze3A_282, %dot_general3A_283 {dimension_numbers = #tpu.dot_dimension_numbers<[1], [1], [0], [0], [0, 0, 1, 0], [], []>, transpose_lhs_hint = false} : vector<128x128xf32>, vector<128x128xf32>, vector<128x128xf32> -> vector<128x128xf32>
    %add3A_285 = vector.broadcast %get3A_8 : vector<128x1xf32> to vector<128x128xf32>
    %add3A_286 = arith.addf %dot_general3A_284, %add3A_285 : vector<128x128xf32>
    %mul3A_287 = arith.constant 5.000000e-01 : f32
    %mul3A_288 = vector.broadcast %mul3A_287 : f32 to vector<128x128xf32>
    %mul3A_289 = arith.mulf %add3A_286, %mul3A_288 : vector<128x128xf32>
    %mul3A_290 = arith.constant 0.707106769 : f32
    %mul3A_291 = vector.broadcast %mul3A_290 : f32 to vector<128x128xf32>
    %mul3A_292 = arith.mulf %add3A_286, %mul3A_291 : vector<128x128xf32>
    %erf3A_293 = math.erf %mul3A_292 : vector<128x128xf32>
    %add3A_294 = arith.constant 1.000000e+00 : f32
    %add3A_295 = vector.broadcast %add3A_294 : f32 to vector<128x128xf32>
    %add3A_296 = arith.addf %add3A_295, %erf3A_293 : vector<128x128xf32>
    %mul3A_297 = arith.mulf %mul3A_289, %add3A_296 : vector<128x128xf32>
    %slice3A_298 = vector.extract_strided_slice %mul3A_297 {offsets = [0, 0], sizes = [64, 128], strides = [1, 1]} : vector<128x128xf32> to vector<64x128xf32>
    %swap3A_299 = arith.constant 18 : index
    %swap3A_300 = arith.constant 0 : index
    %swap3A_301 = arith.constant 0 : index
    %swap3A_302 = vector.load %arg4[%swap3A_299, %swap3A_300, %swap3A_301] : memref<50x64x128xf32, #tpu.memory_space<vmem>>, vector<1x64x128xf32>
    %swap3A_303 = vector.shape_cast %swap3A_302 : vector<1x64x128xf32> to vector<64x128xf32>
    %swap3A_304 = vector.shape_cast %slice3A_298 : vector<64x128xf32> to vector<1x64x128xf32>
    tpu.vector_store %arg4[%swap3A_299, %swap3A_300, %swap3A_301], %swap3A_304 {strides = array<i32>} : memref<50x64x128xf32, #tpu.memory_space<vmem>>, vector<1x64x128xf32>,
    %slice3A_305 = vector.extract_strided_slice %mul3A_297 {offsets = [64, 0], sizes = [64, 128], strides = [1, 1]} : vector<128x128xf32> to vector<64x128xf32>
    %swap3A_306 = arith.constant 19 : index
    %swap3A_307 = arith.constant 0 : index
    %swap3A_308 = arith.constant 0 : index
    %swap3A_309 = vector.load %arg4[%swap3A_306, %swap3A_307, %swap3A_308] : memref<50x64x128xf32, #tpu.memory_space<vmem>>, vector<1x64x128xf32>
    %swap3A_310 = vector.shape_cast %swap3A_309 : vector<1x64x128xf32> to vector<64x128xf32>
    %swap3A_311 = vector.shape_cast %slice3A_305 : vector<64x128xf32> to vector<1x64x128xf32>
    tpu.vector_store %arg4[%swap3A_306, %swap3A_307, %swap3A_308], %swap3A_311 {strides = array<i32>} : memref<50x64x128xf32, #tpu.memory_space<vmem>>, vector<1x64x128xf32>,
    %slice3A_312 = vector.extract_strided_slice %get3A_2 {offsets = [0, 10, 0], sizes = [128, 1, 128], strides = [1, 1, 1]} : vector<128x32x128xf32> to vector<128x1x128xf32>
    %squeeze3A_313 = vector.shape_cast %slice3A_312 : vector<128x1x128xf32> to vector<128x128xf32>
    %dot_general3A_314 = arith.constant dense<0.000000e+00> : vector<128x128xf32>
    %dot_general3A_315 = tpu.matmul %get3A_5, %squeeze3A_313, %dot_general3A_314 {dimension_numbers = #tpu.dot_dimension_numbers<[1], [1], [0], [0], [0, 0, 1, 0], [], []>, transpose_lhs_hint = false} : vector<128x128xf32>, vector<128x128xf32>, vector<128x128xf32> -> vector<128x128xf32>
    %add3A_316 = vector.broadcast %get3A_8 : vector<128x1xf32> to vector<128x128xf32>
    %add3A_317 = arith.addf %dot_general3A_315, %add3A_316 : vector<128x128xf32>
    %mul3A_318 = arith.constant 5.000000e-01 : f32
    %mul3A_319 = vector.broadcast %mul3A_318 : f32 to vector<128x128xf32>
    %mul3A_320 = arith.mulf %add3A_317, %mul3A_319 : vector<128x128xf32>
    %mul3A_321 = arith.constant 0.707106769 : f32
    %mul3A_322 = vector.broadcast %mul3A_321 : f32 to vector<128x128xf32>
    %mul3A_323 = arith.mulf %add3A_317, %mul3A_322 : vector<128x128xf32>
    %erf3A_324 = math.erf %mul3A_323 : vector<128x128xf32>
    %add3A_325 = arith.constant 1.000000e+00 : f32
    %add3A_326 = vector.broadcast %add3A_325 : f32 to vector<128x128xf32>
    %add3A_327 = arith.addf %add3A_326, %erf3A_324 : vector<128x128xf32>
    %mul3A_328 = arith.mulf %mul3A_320, %add3A_327 : vector<128x128xf32>
    %slice3A_329 = vector.extract_strided_slice %mul3A_328 {offsets = [0, 0], sizes = [64, 128], strides = [1, 1]} : vector<128x128xf32> to vector<64x128xf32>
    %swap3A_330 = arith.constant 20 : index
    %swap3A_331 = arith.constant 0 : index
    %swap3A_332 = arith.constant 0 : index
    %swap3A_333 = vector.load %arg4[%swap3A_330, %swap3A_331, %swap3A_332] : memref<50x64x128xf32, #tpu.memory_space<vmem>>, vector<1x64x128xf32>
    %swap3A_334 = vector.shape_cast %swap3A_333 : vector<1x64x128xf32> to vector<64x128xf32>
    %swap3A_335 = vector.shape_cast %slice3A_329 : vector<64x128xf32> to vector<1x64x128xf32>
    tpu.vector_store %arg4[%swap3A_330, %swap3A_331, %swap3A_332], %swap3A_335 {strides = array<i32>} : memref<50x64x128xf32, #tpu.memory_space<vmem>>, vector<1x64x128xf32>,
    %slice3A_336 = vector.extract_strided_slice %mul3A_328 {offsets = [64, 0], sizes = [64, 128], strides = [1, 1]} : vector<128x128xf32> to vector<64x128xf32>
    %swap3A_337 = arith.constant 21 : index
    %swap3A_338 = arith.constant 0 : index
    %swap3A_339 = arith.constant 0 : index
    %swap3A_340 = vector.load %arg4[%swap3A_337, %swap3A_338, %swap3A_339] : memref<50x64x128xf32, #tpu.memory_space<vmem>>, vector<1x64x128xf32>
    %swap3A_341 = vector.shape_cast %swap3A_340 : vector<1x64x128xf32> to vector<64x128xf32>
    %swap3A_342 = vector.shape_cast %slice3A_336 : vector<64x128xf32> to vector<1x64x128xf32>
    tpu.vector_store %arg4[%swap3A_337, %swap3A_338, %swap3A_339], %swap3A_342 {strides = array<i32>} : memref<50x64x128xf32, #tpu.memory_space<vmem>>, vector<1x64x128xf32>,
    %slice3A_343 = vector.extract_strided_slice %get3A_2 {offsets = [0, 11, 0], sizes = [128, 1, 128], strides = [1, 1, 1]} : vector<128x32x128xf32> to vector<128x1x128xf32>
    %squeeze3A_344 = vector.shape_cast %slice3A_343 : vector<128x1x128xf32> to vector<128x128xf32>
    %dot_general3A_345 = arith.constant dense<0.000000e+00> : vector<128x128xf32>
    %dot_general3A_346 = tpu.matmul %get3A_5, %squeeze3A_344, %dot_general3A_345 {dimension_numbers = #tpu.dot_dimension_numbers<[1], [1], [0], [0], [0, 0, 1, 0], [], []>, transpose_lhs_hint = false} : vector<128x128xf32>, vector<128x128xf32>, vector<128x128xf32> -> vector<128x128xf32>
    %add3A_347 = vector.broadcast %get3A_8 : vector<128x1xf32> to vector<128x128xf32>
    %add3A_348 = arith.addf %dot_general3A_346, %add3A_347 : vector<128x128xf32>
    %mul3A_349 = arith.constant 5.000000e-01 : f32
    %mul3A_350 = vector.broadcast %mul3A_349 : f32 to vector<128x128xf32>
    %mul3A_351 = arith.mulf %add3A_348, %mul3A_350 : vector<128x128xf32>
    %mul3A_352 = arith.constant 0.707106769 : f32
    %mul3A_353 = vector.broadcast %mul3A_352 : f32 to vector<128x128xf32>
    %mul3A_354 = arith.mulf %add3A_348, %mul3A_353 : vector<128x128xf32>
    %erf3A_355 = math.erf %mul3A_354 : vector<128x128xf32>
    %add3A_356 = arith.constant 1.000000e+00 : f32
    %add3A_357 = vector.broadcast %add3A_356 : f32 to vector<128x128xf32>
    %add3A_358 = arith.addf %add3A_357, %erf3A_355 : vector<128x128xf32>
    %mul3A_359 = arith.mulf %mul3A_351, %add3A_358 : vector<128x128xf32>
    %slice3A_360 = vector.extract_strided_slice %mul3A_359 {offsets = [0, 0], sizes = [64, 128], strides = [1, 1]} : vector<128x128xf32> to vector<64x128xf32>
    %swap3A_361 = arith.constant 22 : index
    %swap3A_362 = arith.constant 0 : index
    %swap3A_363 = arith.constant 0 : index
    %swap3A_364 = vector.load %arg4[%swap3A_361, %swap3A_362, %swap3A_363] : memref<50x64x128xf32, #tpu.memory_space<vmem>>, vector<1x64x128xf32>
    %swap3A_365 = vector.shape_cast %swap3A_364 : vector<1x64x128xf32> to vector<64x128xf32>
    %swap3A_366 = vector.shape_cast %slice3A_360 : vector<64x128xf32> to vector<1x64x128xf32>
    tpu.vector_store %arg4[%swap3A_361, %swap3A_362, %swap3A_363], %swap3A_366 {strides = array<i32>} : memref<50x64x128xf32, #tpu.memory_space<vmem>>, vector<1x64x128xf32>,
    %slice3A_367 = vector.extract_strided_slice %mul3A_359 {offsets = [64, 0], sizes = [64, 128], strides = [1, 1]} : vector<128x128xf32> to vector<64x128xf32>
    %swap3A_368 = arith.constant 23 : index
    %swap3A_369 = arith.constant 0 : index
    %swap3A_370 = arith.constant 0 : index
    %swap3A_371 = vector.load %arg4[%swap3A_368, %swap3A_369, %swap3A_370] : memref<50x64x128xf32, #tpu.memory_space<vmem>>, vector<1x64x128xf32>
    %swap3A_372 = vector.shape_cast %swap3A_371 : vector<1x64x128xf32> to vector<64x128xf32>
    %swap3A_373 = vector.shape_cast %slice3A_367 : vector<64x128xf32> to vector<1x64x128xf32>
    tpu.vector_store %arg4[%swap3A_368, %swap3A_369, %swap3A_370], %swap3A_373 {strides = array<i32>} : memref<50x64x128xf32, #tpu.memory_space<vmem>>, vector<1x64x128xf32>,
    %slice3A_374 = vector.extract_strided_slice %get3A_2 {offsets = [0, 12, 0], sizes = [128, 1, 128], strides = [1, 1, 1]} : vector<128x32x128xf32> to vector<128x1x128xf32>
    %squeeze3A_375 = vector.shape_cast %slice3A_374 : vector<128x1x128xf32> to vector<128x128xf32>
    %dot_general3A_376 = arith.constant dense<0.000000e+00> : vector<128x128xf32>
    %dot_general3A_377 = tpu.matmul %get3A_5, %squeeze3A_375, %dot_general3A_376 {dimension_numbers = #tpu.dot_dimension_numbers<[1], [1], [0], [0], [0, 0, 1, 0], [], []>, transpose_lhs_hint = false} : vector<128x128xf32>, vector<128x128xf32>, vector<128x128xf32> -> vector<128x128xf32>
    %add3A_378 = vector.broadcast %get3A_8 : vector<128x1xf32> to vector<128x128xf32>
    %add3A_379 = arith.addf %dot_general3A_377, %add3A_378 : vector<128x128xf32>
    %mul3A_380 = arith.constant 5.000000e-01 : f32
    %mul3A_381 = vector.broadcast %mul3A_380 : f32 to vector<128x128xf32>
    %mul3A_382 = arith.mulf %add3A_379, %mul3A_381 : vector<128x128xf32>
    %mul3A_383 = arith.constant 0.707106769 : f32
    %mul3A_384 = vector.broadcast %mul3A_383 : f32 to vector<128x128xf32>
    %mul3A_385 = arith.mulf %add3A_379, %mul3A_384 : vector<128x128xf32>
    %erf3A_386 = math.erf %mul3A_385 : vector<128x128xf32>
    %add3A_387 = arith.constant 1.000000e+00 : f32
    %add3A_388 = vector.broadcast %add3A_387 : f32 to vector<128x128xf32>
    %add3A_389 = arith.addf %add3A_388, %erf3A_386 : vector<128x128xf32>
    %mul3A_390 = arith.mulf %mul3A_382, %add3A_389 : vector<128x128xf32>
    %slice3A_391 = vector.extract_strided_slice %mul3A_390 {offsets = [0, 0], sizes = [64, 128], strides = [1, 1]} : vector<128x128xf32> to vector<64x128xf32>
    %swap3A_392 = arith.constant 24 : index
    %swap3A_393 = arith.constant 0 : index
    %swap3A_394 = arith.constant 0 : index
    %swap3A_395 = vector.load %arg4[%swap3A_392, %swap3A_393, %swap3A_394] : memref<50x64x128xf32, #tpu.memory_space<vmem>>, vector<1x64x128xf32>
    %swap3A_396 = vector.shape_cast %swap3A_395 : vector<1x64x128xf32> to vector<64x128xf32>
    %swap3A_397 = vector.shape_cast %slice3A_391 : vector<64x128xf32> to vector<1x64x128xf32>
    tpu.vector_store %arg4[%swap3A_392, %swap3A_393, %swap3A_394], %swap3A_397 {strides = array<i32>} : memref<50x64x128xf32, #tpu.memory_space<vmem>>, vector<1x64x128xf32>,
    %slice3A_398 = vector.extract_strided_slice %mul3A_390 {offsets = [64, 0], sizes = [64, 128], strides = [1, 1]} : vector<128x128xf32> to vector<64x128xf32>
    %swap3A_399 = arith.constant 25 : index
    %swap3A_400 = arith.constant 0 : index
    %swap3A_401 = arith.constant 0 : index
    %swap3A_402 = vector.load %arg4[%swap3A_399, %swap3A_400, %swap3A_401] : memref<50x64x128xf32, #tpu.memory_space<vmem>>, vector<1x64x128xf32>
    %swap3A_403 = vector.shape_cast %swap3A_402 : vector<1x64x128xf32> to vector<64x128xf32>
    %swap3A_404 = vector.shape_cast %slice3A_398 : vector<64x128xf32> to vector<1x64x128xf32>
    tpu.vector_store %arg4[%swap3A_399, %swap3A_400, %swap3A_401], %swap3A_404 {strides = array<i32>} : memref<50x64x128xf32, #tpu.memory_space<vmem>>, vector<1x64x128xf32>,
    %slice3A_405 = vector.extract_strided_slice %get3A_2 {offsets = [0, 13, 0], sizes = [128, 1, 128], strides = [1, 1, 1]} : vector<128x32x128xf32> to vector<128x1x128xf32>
    %squeeze3A_406 = vector.shape_cast %slice3A_405 : vector<128x1x128xf32> to vector<128x128xf32>
    %dot_general3A_407 = arith.constant dense<0.000000e+00> : vector<128x128xf32>
    %dot_general3A_408 = tpu.matmul %get3A_5, %squeeze3A_406, %dot_general3A_407 {dimension_numbers = #tpu.dot_dimension_numbers<[1], [1], [0], [0], [0, 0, 1, 0], [], []>, transpose_lhs_hint = false} : vector<128x128xf32>, vector<128x128xf32>, vector<128x128xf32> -> vector<128x128xf32>
    %add3A_409 = vector.broadcast %get3A_8 : vector<128x1xf32> to vector<128x128xf32>
    %add3A_410 = arith.addf %dot_general3A_408, %add3A_409 : vector<128x128xf32>
    %mul3A_411 = arith.constant 5.000000e-01 : f32
    %mul3A_412 = vector.broadcast %mul3A_411 : f32 to vector<128x128xf32>
    %mul3A_413 = arith.mulf %add3A_410, %mul3A_412 : vector<128x128xf32>
    %mul3A_414 = arith.constant 0.707106769 : f32
    %mul3A_415 = vector.broadcast %mul3A_414 : f32 to vector<128x128xf32>
    %mul3A_416 = arith.mulf %add3A_410, %mul3A_415 : vector<128x128xf32>
    %erf3A_417 = math.erf %mul3A_416 : vector<128x128xf32>
    %add3A_418 = arith.constant 1.000000e+00 : f32
    %add3A_419 = vector.broadcast %add3A_418 : f32 to vector<128x128xf32>
    %add3A_420 = arith.addf %add3A_419, %erf3A_417 : vector<128x128xf32>
    %mul3A_421 = arith.mulf %mul3A_413, %add3A_420 : vector<128x128xf32>
    %slice3A_422 = vector.extract_strided_slice %mul3A_421 {offsets = [0, 0], sizes = [64, 128], strides = [1, 1]} : vector<128x128xf32> to vector<64x128xf32>
    %swap3A_423 = arith.constant 26 : index
    %swap3A_424 = arith.constant 0 : index
    %swap3A_425 = arith.constant 0 : index
    %swap3A_426 = vector.load %arg4[%swap3A_423, %swap3A_424, %swap3A_425] : memref<50x64x128xf32, #tpu.memory_space<vmem>>, vector<1x64x128xf32>
    %swap3A_427 = vector.shape_cast %swap3A_426 : vector<1x64x128xf32> to vector<64x128xf32>
    %swap3A_428 = vector.shape_cast %slice3A_422 : vector<64x128xf32> to vector<1x64x128xf32>
    tpu.vector_store %arg4[%swap3A_423, %swap3A_424, %swap3A_425], %swap3A_428 {strides = array<i32>} : memref<50x64x128xf32, #tpu.memory_space<vmem>>, vector<1x64x128xf32>,
    %slice3A_429 = vector.extract_strided_slice %mul3A_421 {offsets = [64, 0], sizes = [64, 128], strides = [1, 1]} : vector<128x128xf32> to vector<64x128xf32>
    %swap3A_430 = arith.constant 27 : index
    %swap3A_431 = arith.constant 0 : index
    %swap3A_432 = arith.constant 0 : index
    %swap3A_433 = vector.load %arg4[%swap3A_430, %swap3A_431, %swap3A_432] : memref<50x64x128xf32, #tpu.memory_space<vmem>>, vector<1x64x128xf32>
    %swap3A_434 = vector.shape_cast %swap3A_433 : vector<1x64x128xf32> to vector<64x128xf32>
    %swap3A_435 = vector.shape_cast %slice3A_429 : vector<64x128xf32> to vector<1x64x128xf32>
    tpu.vector_store %arg4[%swap3A_430, %swap3A_431, %swap3A_432], %swap3A_435 {strides = array<i32>} : memref<50x64x128xf32, #tpu.memory_space<vmem>>, vector<1x64x128xf32>,
    %slice3A_436 = vector.extract_strided_slice %get3A_2 {offsets = [0, 14, 0], sizes = [128, 1, 128], strides = [1, 1, 1]} : vector<128x32x128xf32> to vector<128x1x128xf32>
    %squeeze3A_437 = vector.shape_cast %slice3A_436 : vector<128x1x128xf32> to vector<128x128xf32>
    %dot_general3A_438 = arith.constant dense<0.000000e+00> : vector<128x128xf32>
    %dot_general3A_439 = tpu.matmul %get3A_5, %squeeze3A_437, %dot_general3A_438 {dimension_numbers = #tpu.dot_dimension_numbers<[1], [1], [0], [0], [0, 0, 1, 0], [], []>, transpose_lhs_hint = false} : vector<128x128xf32>, vector<128x128xf32>, vector<128x128xf32> -> vector<128x128xf32>
    %add3A_440 = vector.broadcast %get3A_8 : vector<128x1xf32> to vector<128x128xf32>
    %add3A_441 = arith.addf %dot_general3A_439, %add3A_440 : vector<128x128xf32>
    %mul3A_442 = arith.constant 5.000000e-01 : f32
    %mul3A_443 = vector.broadcast %mul3A_442 : f32 to vector<128x128xf32>
    %mul3A_444 = arith.mulf %add3A_441, %mul3A_443 : vector<128x128xf32>
    %mul3A_445 = arith.constant 0.707106769 : f32
    %mul3A_446 = vector.broadcast %mul3A_445 : f32 to vector<128x128xf32>
    %mul3A_447 = arith.mulf %add3A_441, %mul3A_446 : vector<128x128xf32>
    %erf3A_448 = math.erf %mul3A_447 : vector<128x128xf32>
    %add3A_449 = arith.constant 1.000000e+00 : f32
    %add3A_450 = vector.broadcast %add3A_449 : f32 to vector<128x128xf32>
    %add3A_451 = arith.addf %add3A_450, %erf3A_448 : vector<128x128xf32>
    %mul3A_452 = arith.mulf %mul3A_444, %add3A_451 : vector<128x128xf32>
    %slice3A_453 = vector.extract_strided_slice %mul3A_452 {offsets = [0, 0], sizes = [64, 128], strides = [1, 1]} : vector<128x128xf32> to vector<64x128xf32>
    %swap3A_454 = arith.constant 28 : index
    %swap3A_455 = arith.constant 0 : index
    %swap3A_456 = arith.constant 0 : index
    %swap3A_457 = vector.load %arg4[%swap3A_454, %swap3A_455, %swap3A_456] : memref<50x64x128xf32, #tpu.memory_space<vmem>>, vector<1x64x128xf32>
    %swap3A_458 = vector.shape_cast %swap3A_457 : vector<1x64x128xf32> to vector<64x128xf32>
    %swap3A_459 = vector.shape_cast %slice3A_453 : vector<64x128xf32> to vector<1x64x128xf32>
    tpu.vector_store %arg4[%swap3A_454, %swap3A_455, %swap3A_456], %swap3A_459 {strides = array<i32>} : memref<50x64x128xf32, #tpu.memory_space<vmem>>, vector<1x64x128xf32>,
    %slice3A_460 = vector.extract_strided_slice %mul3A_452 {offsets = [64, 0], sizes = [64, 128], strides = [1, 1]} : vector<128x128xf32> to vector<64x128xf32>
    %swap3A_461 = arith.constant 29 : index
    %swap3A_462 = arith.constant 0 : index
    %swap3A_463 = arith.constant 0 : index
    %swap3A_464 = vector.load %arg4[%swap3A_461, %swap3A_462, %swap3A_463] : memref<50x64x128xf32, #tpu.memory_space<vmem>>, vector<1x64x128xf32>
    %swap3A_465 = vector.shape_cast %swap3A_464 : vector<1x64x128xf32> to vector<64x128xf32>
    %swap3A_466 = vector.shape_cast %slice3A_460 : vector<64x128xf32> to vector<1x64x128xf32>
    tpu.vector_store %arg4[%swap3A_461, %swap3A_462, %swap3A_463], %swap3A_466 {strides = array<i32>} : memref<50x64x128xf32, #tpu.memory_space<vmem>>, vector<1x64x128xf32>,
    %slice3A_467 = vector.extract_strided_slice %get3A_2 {offsets = [0, 15, 0], sizes = [128, 1, 128], strides = [1, 1, 1]} : vector<128x32x128xf32> to vector<128x1x128xf32>
    %squeeze3A_468 = vector.shape_cast %slice3A_467 : vector<128x1x128xf32> to vector<128x128xf32>
    %dot_general3A_469 = arith.constant dense<0.000000e+00> : vector<128x128xf32>
    %dot_general3A_470 = tpu.matmul %get3A_5, %squeeze3A_468, %dot_general3A_469 {dimension_numbers = #tpu.dot_dimension_numbers<[1], [1], [0], [0], [0, 0, 1, 0], [], []>, transpose_lhs_hint = false} : vector<128x128xf32>, vector<128x128xf32>, vector<128x128xf32> -> vector<128x128xf32>
    %add3A_471 = vector.broadcast %get3A_8 : vector<128x1xf32> to vector<128x128xf32>
    %add3A_472 = arith.addf %dot_general3A_470, %add3A_471 : vector<128x128xf32>
    %mul3A_473 = arith.constant 5.000000e-01 : f32
    %mul3A_474 = vector.broadcast %mul3A_473 : f32 to vector<128x128xf32>
    %mul3A_475 = arith.mulf %add3A_472, %mul3A_474 : vector<128x128xf32>
    %mul3A_476 = arith.constant 0.707106769 : f32
    %mul3A_477 = vector.broadcast %mul3A_476 : f32 to vector<128x128xf32>
    %mul3A_478 = arith.mulf %add3A_472, %mul3A_477 : vector<128x128xf32>
    %erf3A_479 = math.erf %mul3A_478 : vector<128x128xf32>
    %add3A_480 = arith.constant 1.000000e+00 : f32
    %add3A_481 = vector.broadcast %add3A_480 : f32 to vector<128x128xf32>
    %add3A_482 = arith.addf %add3A_481, %erf3A_479 : vector<128x128xf32>
    %mul3A_483 = arith.mulf %mul3A_475, %add3A_482 : vector<128x128xf32>
    %slice3A_484 = vector.extract_strided_slice %mul3A_483 {offsets = [0, 0], sizes = [64, 128], strides = [1, 1]} : vector<128x128xf32> to vector<64x128xf32>
    %swap3A_485 = arith.constant 30 : index
    %swap3A_486 = arith.constant 0 : index
    %swap3A_487 = arith.constant 0 : index
    %swap3A_488 = vector.load %arg4[%swap3A_485, %swap3A_486, %swap3A_487] : memref<50x64x128xf32, #tpu.memory_space<vmem>>, vector<1x64x128xf32>
    %swap3A_489 = vector.shape_cast %swap3A_488 : vector<1x64x128xf32> to vector<64x128xf32>
    %swap3A_490 = vector.shape_cast %slice3A_484 : vector<64x128xf32> to vector<1x64x128xf32>
    tpu.vector_store %arg4[%swap3A_485, %swap3A_486, %swap3A_487], %swap3A_490 {strides = array<i32>} : memref<50x64x128xf32, #tpu.memory_space<vmem>>, vector<1x64x128xf32>,
    %slice3A_491 = vector.extract_strided_slice %mul3A_483 {offsets = [64, 0], sizes = [64, 128], strides = [1, 1]} : vector<128x128xf32> to vector<64x128xf32>
    %swap3A_492 = arith.constant 31 : index
    %swap3A_493 = arith.constant 0 : index
    %swap3A_494 = arith.constant 0 : index
    %swap3A_495 = vector.load %arg4[%swap3A_492, %swap3A_493, %swap3A_494] : memref<50x64x128xf32, #tpu.memory_space<vmem>>, vector<1x64x128xf32>
    %swap3A_496 = vector.shape_cast %swap3A_495 : vector<1x64x128xf32> to vector<64x128xf32>
    %swap3A_497 = vector.shape_cast %slice3A_491 : vector<64x128xf32> to vector<1x64x128xf32>
    tpu.vector_store %arg4[%swap3A_492, %swap3A_493, %swap3A_494], %swap3A_497 {strides = array<i32>} : memref<50x64x128xf32, #tpu.memory_space<vmem>>, vector<1x64x128xf32>,
    %slice3A_498 = vector.extract_strided_slice %get3A_2 {offsets = [0, 16, 0], sizes = [128, 1, 128], strides = [1, 1, 1]} : vector<128x32x128xf32> to vector<128x1x128xf32>
    %squeeze3A_499 = vector.shape_cast %slice3A_498 : vector<128x1x128xf32> to vector<128x128xf32>
    %dot_general3A_500 = arith.constant dense<0.000000e+00> : vector<128x128xf32>
    %dot_general3A_501 = tpu.matmul %get3A_5, %squeeze3A_499, %dot_general3A_500 {dimension_numbers = #tpu.dot_dimension_numbers<[1], [1], [0], [0], [0, 0, 1, 0], [], []>, transpose_lhs_hint = false} : vector<128x128xf32>, vector<128x128xf32>, vector<128x128xf32> -> vector<128x128xf32>
    %add3A_502 = vector.broadcast %get3A_8 : vector<128x1xf32> to vector<128x128xf32>
    %add3A_503 = arith.addf %dot_general3A_501, %add3A_502 : vector<128x128xf32>
    %mul3A_504 = arith.constant 5.000000e-01 : f32
    %mul3A_505 = vector.broadcast %mul3A_504 : f32 to vector<128x128xf32>
    %mul3A_506 = arith.mulf %add3A_503, %mul3A_505 : vector<128x128xf32>
    %mul3A_507 = arith.constant 0.707106769 : f32
    %mul3A_508 = vector.broadcast %mul3A_507 : f32 to vector<128x128xf32>
    %mul3A_509 = arith.mulf %add3A_503, %mul3A_508 : vector<128x128xf32>
    %erf3A_510 = math.erf %mul3A_509 : vector<128x128xf32>
    %add3A_511 = arith.constant 1.000000e+00 : f32
    %add3A_512 = vector.broadcast %add3A_511 : f32 to vector<128x128xf32>
    %add3A_513 = arith.addf %add3A_512, %erf3A_510 : vector<128x128xf32>
    %mul3A_514 = arith.mulf %mul3A_506, %add3A_513 : vector<128x128xf32>
    %slice3A_515 = vector.extract_strided_slice %mul3A_514 {offsets = [0, 0], sizes = [64, 128], strides = [1, 1]} : vector<128x128xf32> to vector<64x128xf32>
    %swap3A_516 = arith.constant 32 : index
    %swap3A_517 = arith.constant 0 : index
    %swap3A_518 = arith.constant 0 : index
    %swap3A_519 = vector.load %arg4[%swap3A_516, %swap3A_517, %swap3A_518] : memref<50x64x128xf32, #tpu.memory_space<vmem>>, vector<1x64x128xf32>
    %swap3A_520 = vector.shape_cast %swap3A_519 : vector<1x64x128xf32> to vector<64x128xf32>
    %swap3A_521 = vector.shape_cast %slice3A_515 : vector<64x128xf32> to vector<1x64x128xf32>
    tpu.vector_store %arg4[%swap3A_516, %swap3A_517, %swap3A_518], %swap3A_521 {strides = array<i32>} : memref<50x64x128xf32, #tpu.memory_space<vmem>>, vector<1x64x128xf32>,
    %slice3A_522 = vector.extract_strided_slice %mul3A_514 {offsets = [64, 0], sizes = [64, 128], strides = [1, 1]} : vector<128x128xf32> to vector<64x128xf32>
    %swap3A_523 = arith.constant 33 : index
    %swap3A_524 = arith.constant 0 : index
    %swap3A_525 = arith.constant 0 : index
    %swap3A_526 = vector.load %arg4[%swap3A_523, %swap3A_524, %swap3A_525] : memref<50x64x128xf32, #tpu.memory_space<vmem>>, vector<1x64x128xf32>
    %swap3A_527 = vector.shape_cast %swap3A_526 : vector<1x64x128xf32> to vector<64x128xf32>
    %swap3A_528 = vector.shape_cast %slice3A_522 : vector<64x128xf32> to vector<1x64x128xf32>
    tpu.vector_store %arg4[%swap3A_523, %swap3A_524, %swap3A_525], %swap3A_528 {strides = array<i32>} : memref<50x64x128xf32, #tpu.memory_space<vmem>>, vector<1x64x128xf32>,
    %slice3A_529 = vector.extract_strided_slice %get3A_2 {offsets = [0, 17, 0], sizes = [128, 1, 128], strides = [1, 1, 1]} : vector<128x32x128xf32> to vector<128x1x128xf32>
    %squeeze3A_530 = vector.shape_cast %slice3A_529 : vector<128x1x128xf32> to vector<128x128xf32>
    %dot_general3A_531 = arith.constant dense<0.000000e+00> : vector<128x128xf32>
    %dot_general3A_532 = tpu.matmul %get3A_5, %squeeze3A_530, %dot_general3A_531 {dimension_numbers = #tpu.dot_dimension_numbers<[1], [1], [0], [0], [0, 0, 1, 0], [], []>, transpose_lhs_hint = false} : vector<128x128xf32>, vector<128x128xf32>, vector<128x128xf32> -> vector<128x128xf32>
    %add3A_533 = vector.broadcast %get3A_8 : vector<128x1xf32> to vector<128x128xf32>
    %add3A_534 = arith.addf %dot_general3A_532, %add3A_533 : vector<128x128xf32>
    %mul3A_535 = arith.constant 5.000000e-01 : f32
    %mul3A_536 = vector.broadcast %mul3A_535 : f32 to vector<128x128xf32>
    %mul3A_537 = arith.mulf %add3A_534, %mul3A_536 : vector<128x128xf32>
    %mul3A_538 = arith.constant 0.707106769 : f32
    %mul3A_539 = vector.broadcast %mul3A_538 : f32 to vector<128x128xf32>
    %mul3A_540 = arith.mulf %add3A_534, %mul3A_539 : vector<128x128xf32>
    %erf3A_541 = math.erf %mul3A_540 : vector<128x128xf32>
    %add3A_542 = arith.constant 1.000000e+00 : f32
    %add3A_543 = vector.broadcast %add3A_542 : f32 to vector<128x128xf32>
    %add3A_544 = arith.addf %add3A_543, %erf3A_541 : vector<128x128xf32>
    %mul3A_545 = arith.mulf %mul3A_537, %add3A_544 : vector<128x128xf32>
    %slice3A_546 = vector.extract_strided_slice %mul3A_545 {offsets = [0, 0], sizes = [64, 128], strides = [1, 1]} : vector<128x128xf32> to vector<64x128xf32>
    %swap3A_547 = arith.constant 34 : index
    %swap3A_548 = arith.constant 0 : index
    %swap3A_549 = arith.constant 0 : index
    %swap3A_550 = vector.load %arg4[%swap3A_547, %swap3A_548, %swap3A_549] : memref<50x64x128xf32, #tpu.memory_space<vmem>>, vector<1x64x128xf32>
    %swap3A_551 = vector.shape_cast %swap3A_550 : vector<1x64x128xf32> to vector<64x128xf32>
    %swap3A_552 = vector.shape_cast %slice3A_546 : vector<64x128xf32> to vector<1x64x128xf32>
    tpu.vector_store %arg4[%swap3A_547, %swap3A_548, %swap3A_549], %swap3A_552 {strides = array<i32>} : memref<50x64x128xf32, #tpu.memory_space<vmem>>, vector<1x64x128xf32>,
    %slice3A_553 = vector.extract_strided_slice %mul3A_545 {offsets = [64, 0], sizes = [64, 128], strides = [1, 1]} : vector<128x128xf32> to vector<64x128xf32>
    %swap3A_554 = arith.constant 35 : index
    %swap3A_555 = arith.constant 0 : index
    %swap3A_556 = arith.constant 0 : index
    %swap3A_557 = vector.load %arg4[%swap3A_554, %swap3A_555, %swap3A_556] : memref<50x64x128xf32, #tpu.memory_space<vmem>>, vector<1x64x128xf32>
    %swap3A_558 = vector.shape_cast %swap3A_557 : vector<1x64x128xf32> to vector<64x128xf32>
    %swap3A_559 = vector.shape_cast %slice3A_553 : vector<64x128xf32> to vector<1x64x128xf32>
    tpu.vector_store %arg4[%swap3A_554, %swap3A_555, %swap3A_556], %swap3A_559 {strides = array<i32>} : memref<50x64x128xf32, #tpu.memory_space<vmem>>, vector<1x64x128xf32>,
    %slice3A_560 = vector.extract_strided_slice %get3A_2 {offsets = [0, 18, 0], sizes = [128, 1, 128], strides = [1, 1, 1]} : vector<128x32x128xf32> to vector<128x1x128xf32>
    %squeeze3A_561 = vector.shape_cast %slice3A_560 : vector<128x1x128xf32> to vector<128x128xf32>
    %dot_general3A_562 = arith.constant dense<0.000000e+00> : vector<128x128xf32>
    %dot_general3A_563 = tpu.matmul %get3A_5, %squeeze3A_561, %dot_general3A_562 {dimension_numbers = #tpu.dot_dimension_numbers<[1], [1], [0], [0], [0, 0, 1, 0], [], []>, transpose_lhs_hint = false} : vector<128x128xf32>, vector<128x128xf32>, vector<128x128xf32> -> vector<128x128xf32>
    %add3A_564 = vector.broadcast %get3A_8 : vector<128x1xf32> to vector<128x128xf32>
    %add3A_565 = arith.addf %dot_general3A_563, %add3A_564 : vector<128x128xf32>
    %mul3A_566 = arith.constant 5.000000e-01 : f32
    %mul3A_567 = vector.broadcast %mul3A_566 : f32 to vector<128x128xf32>
    %mul3A_568 = arith.mulf %add3A_565, %mul3A_567 : vector<128x128xf32>
    %mul3A_569 = arith.constant 0.707106769 : f32
    %mul3A_570 = vector.broadcast %mul3A_569 : f32 to vector<128x128xf32>
    %mul3A_571 = arith.mulf %add3A_565, %mul3A_570 : vector<128x128xf32>
    %erf3A_572 = math.erf %mul3A_571 : vector<128x128xf32>
    %add3A_573 = arith.constant 1.000000e+00 : f32
    %add3A_574 = vector.broadcast %add3A_573 : f32 to vector<128x128xf32>
    %add3A_575 = arith.addf %add3A_574, %erf3A_572 : vector<128x128xf32>
    %mul3A_576 = arith.mulf %mul3A_568, %add3A_575 : vector<128x128xf32>
    %slice3A_577 = vector.extract_strided_slice %mul3A_576 {offsets = [0, 0], sizes = [64, 128], strides = [1, 1]} : vector<128x128xf32> to vector<64x128xf32>
    %swap3A_578 = arith.constant 36 : index
    %swap3A_579 = arith.constant 0 : index
    %swap3A_580 = arith.constant 0 : index
    %swap3A_581 = vector.load %arg4[%swap3A_578, %swap3A_579, %swap3A_580] : memref<50x64x128xf32, #tpu.memory_space<vmem>>, vector<1x64x128xf32>
    %swap3A_582 = vector.shape_cast %swap3A_581 : vector<1x64x128xf32> to vector<64x128xf32>
    %swap3A_583 = vector.shape_cast %slice3A_577 : vector<64x128xf32> to vector<1x64x128xf32>
    tpu.vector_store %arg4[%swap3A_578, %swap3A_579, %swap3A_580], %swap3A_583 {strides = array<i32>} : memref<50x64x128xf32, #tpu.memory_space<vmem>>, vector<1x64x128xf32>,
    %slice3A_584 = vector.extract_strided_slice %mul3A_576 {offsets = [64, 0], sizes = [64, 128], strides = [1, 1]} : vector<128x128xf32> to vector<64x128xf32>
    %swap3A_585 = arith.constant 37 : index
    %swap3A_586 = arith.constant 0 : index
    %swap3A_587 = arith.constant 0 : index
    %swap3A_588 = vector.load %arg4[%swap3A_585, %swap3A_586, %swap3A_587] : memref<50x64x128xf32, #tpu.memory_space<vmem>>, vector<1x64x128xf32>
    %swap3A_589 = vector.shape_cast %swap3A_588 : vector<1x64x128xf32> to vector<64x128xf32>
    %swap3A_590 = vector.shape_cast %slice3A_584 : vector<64x128xf32> to vector<1x64x128xf32>
    tpu.vector_store %arg4[%swap3A_585, %swap3A_586, %swap3A_587], %swap3A_590 {strides = array<i32>} : memref<50x64x128xf32, #tpu.memory_space<vmem>>, vector<1x64x128xf32>,
    %slice3A_591 = vector.extract_strided_slice %get3A_2 {offsets = [0, 19, 0], sizes = [128, 1, 128], strides = [1, 1, 1]} : vector<128x32x128xf32> to vector<128x1x128xf32>
    %squeeze3A_592 = vector.shape_cast %slice3A_591 : vector<128x1x128xf32> to vector<128x128xf32>
    %dot_general3A_593 = arith.constant dense<0.000000e+00> : vector<128x128xf32>
    %dot_general3A_594 = tpu.matmul %get3A_5, %squeeze3A_592, %dot_general3A_593 {dimension_numbers = #tpu.dot_dimension_numbers<[1], [1], [0], [0], [0, 0, 1, 0], [], []>, transpose_lhs_hint = false} : vector<128x128xf32>, vector<128x128xf32>, vector<128x128xf32> -> vector<128x128xf32>
    %add3A_595 = vector.broadcast %get3A_8 : vector<128x1xf32> to vector<128x128xf32>
    %add3A_596 = arith.addf %dot_general3A_594, %add3A_595 : vector<128x128xf32>
    %mul3A_597 = arith.constant 5.000000e-01 : f32
    %mul3A_598 = vector.broadcast %mul3A_597 : f32 to vector<128x128xf32>
    %mul3A_599 = arith.mulf %add3A_596, %mul3A_598 : vector<128x128xf32>
    %mul3A_600 = arith.constant 0.707106769 : f32
    %mul3A_601 = vector.broadcast %mul3A_600 : f32 to vector<128x128xf32>
    %mul3A_602 = arith.mulf %add3A_596, %mul3A_601 : vector<128x128xf32>
    %erf3A_603 = math.erf %mul3A_602 : vector<128x128xf32>
    %add3A_604 = arith.constant 1.000000e+00 : f32
    %add3A_605 = vector.broadcast %add3A_604 : f32 to vector<128x128xf32>
    %add3A_606 = arith.addf %add3A_605, %erf3A_603 : vector<128x128xf32>
    %mul3A_607 = arith.mulf %mul3A_599, %add3A_606 : vector<128x128xf32>
    %slice3A_608 = vector.extract_strided_slice %mul3A_607 {offsets = [0, 0], sizes = [64, 128], strides = [1, 1]} : vector<128x128xf32> to vector<64x128xf32>
    %swap3A_609 = arith.constant 38 : index
    %swap3A_610 = arith.constant 0 : index
    %swap3A_611 = arith.constant 0 : index
    %swap3A_612 = vector.load %arg4[%swap3A_609, %swap3A_610, %swap3A_611] : memref<50x64x128xf32, #tpu.memory_space<vmem>>, vector<1x64x128xf32>
    %swap3A_613 = vector.shape_cast %swap3A_612 : vector<1x64x128xf32> to vector<64x128xf32>
    %swap3A_614 = vector.shape_cast %slice3A_608 : vector<64x128xf32> to vector<1x64x128xf32>
    tpu.vector_store %arg4[%swap3A_609, %swap3A_610, %swap3A_611], %swap3A_614 {strides = array<i32>} : memref<50x64x128xf32, #tpu.memory_space<vmem>>, vector<1x64x128xf32>,
    %slice3A_615 = vector.extract_strided_slice %mul3A_607 {offsets = [64, 0], sizes = [64, 128], strides = [1, 1]} : vector<128x128xf32> to vector<64x128xf32>
    %swap3A_616 = arith.constant 39 : index
    %swap3A_617 = arith.constant 0 : index
    %swap3A_618 = arith.constant 0 : index
    %swap3A_619 = vector.load %arg4[%swap3A_616, %swap3A_617, %swap3A_618] : memref<50x64x128xf32, #tpu.memory_space<vmem>>, vector<1x64x128xf32>
    %swap3A_620 = vector.shape_cast %swap3A_619 : vector<1x64x128xf32> to vector<64x128xf32>
    %swap3A_621 = vector.shape_cast %slice3A_615 : vector<64x128xf32> to vector<1x64x128xf32>
    tpu.vector_store %arg4[%swap3A_616, %swap3A_617, %swap3A_618], %swap3A_621 {strides = array<i32>} : memref<50x64x128xf32, #tpu.memory_space<vmem>>, vector<1x64x128xf32>,
    %slice3A_622 = vector.extract_strided_slice %get3A_2 {offsets = [0, 20, 0], sizes = [128, 1, 128], strides = [1, 1, 1]} : vector<128x32x128xf32> to vector<128x1x128xf32>
    %squeeze3A_623 = vector.shape_cast %slice3A_622 : vector<128x1x128xf32> to vector<128x128xf32>
    %dot_general3A_624 = arith.constant dense<0.000000e+00> : vector<128x128xf32>
    %dot_general3A_625 = tpu.matmul %get3A_5, %squeeze3A_623, %dot_general3A_624 {dimension_numbers = #tpu.dot_dimension_numbers<[1], [1], [0], [0], [0, 0, 1, 0], [], []>, transpose_lhs_hint = false} : vector<128x128xf32>, vector<128x128xf32>, vector<128x128xf32> -> vector<128x128xf32>
    %add3A_626 = vector.broadcast %get3A_8 : vector<128x1xf32> to vector<128x128xf32>
    %add3A_627 = arith.addf %dot_general3A_625, %add3A_626 : vector<128x128xf32>
    %mul3A_628 = arith.constant 5.000000e-01 : f32
    %mul3A_629 = vector.broadcast %mul3A_628 : f32 to vector<128x128xf32>
    %mul3A_630 = arith.mulf %add3A_627, %mul3A_629 : vector<128x128xf32>
    %mul3A_631 = arith.constant 0.707106769 : f32
    %mul3A_632 = vector.broadcast %mul3A_631 : f32 to vector<128x128xf32>
    %mul3A_633 = arith.mulf %add3A_627, %mul3A_632 : vector<128x128xf32>
    %erf3A_634 = math.erf %mul3A_633 : vector<128x128xf32>
    %add3A_635 = arith.constant 1.000000e+00 : f32
    %add3A_636 = vector.broadcast %add3A_635 : f32 to vector<128x128xf32>
    %add3A_637 = arith.addf %add3A_636, %erf3A_634 : vector<128x128xf32>
    %mul3A_638 = arith.mulf %mul3A_630, %add3A_637 : vector<128x128xf32>
    %slice3A_639 = vector.extract_strided_slice %mul3A_638 {offsets = [0, 0], sizes = [64, 128], strides = [1, 1]} : vector<128x128xf32> to vector<64x128xf32>
    %swap3A_640 = arith.constant 40 : index
    %swap3A_641 = arith.constant 0 : index
    %swap3A_642 = arith.constant 0 : index
    %swap3A_643 = vector.load %arg4[%swap3A_640, %swap3A_641, %swap3A_642] : memref<50x64x128xf32, #tpu.memory_space<vmem>>, vector<1x64x128xf32>
    %swap3A_644 = vector.shape_cast %swap3A_643 : vector<1x64x128xf32> to vector<64x128xf32>
    %swap3A_645 = vector.shape_cast %slice3A_639 : vector<64x128xf32> to vector<1x64x128xf32>
    tpu.vector_store %arg4[%swap3A_640, %swap3A_641, %swap3A_642], %swap3A_645 {strides = array<i32>} : memref<50x64x128xf32, #tpu.memory_space<vmem>>, vector<1x64x128xf32>,
    %slice3A_646 = vector.extract_strided_slice %mul3A_638 {offsets = [64, 0], sizes = [64, 128], strides = [1, 1]} : vector<128x128xf32> to vector<64x128xf32>
    %swap3A_647 = arith.constant 41 : index
    %swap3A_648 = arith.constant 0 : index
    %swap3A_649 = arith.constant 0 : index
    %swap3A_650 = vector.load %arg4[%swap3A_647, %swap3A_648, %swap3A_649] : memref<50x64x128xf32, #tpu.memory_space<vmem>>, vector<1x64x128xf32>
    %swap3A_651 = vector.shape_cast %swap3A_650 : vector<1x64x128xf32> to vector<64x128xf32>
    %swap3A_652 = vector.shape_cast %slice3A_646 : vector<64x128xf32> to vector<1x64x128xf32>
    tpu.vector_store %arg4[%swap3A_647, %swap3A_648, %swap3A_649], %swap3A_652 {strides = array<i32>} : memref<50x64x128xf32, #tpu.memory_space<vmem>>, vector<1x64x128xf32>,
    %slice3A_653 = vector.extract_strided_slice %get3A_2 {offsets = [0, 21, 0], sizes = [128, 1, 128], strides = [1, 1, 1]} : vector<128x32x128xf32> to vector<128x1x128xf32>
    %squeeze3A_654 = vector.shape_cast %slice3A_653 : vector<128x1x128xf32> to vector<128x128xf32>
    %dot_general3A_655 = arith.constant dense<0.000000e+00> : vector<128x128xf32>
    %dot_general3A_656 = tpu.matmul %get3A_5, %squeeze3A_654, %dot_general3A_655 {dimension_numbers = #tpu.dot_dimension_numbers<[1], [1], [0], [0], [0, 0, 1, 0], [], []>, transpose_lhs_hint = false} : vector<128x128xf32>, vector<128x128xf32>, vector<128x128xf32> -> vector<128x128xf32>
    %add3A_657 = vector.broadcast %get3A_8 : vector<128x1xf32> to vector<128x128xf32>
    %add3A_658 = arith.addf %dot_general3A_656, %add3A_657 : vector<128x128xf32>
    %mul3A_659 = arith.constant 5.000000e-01 : f32
    %mul3A_660 = vector.broadcast %mul3A_659 : f32 to vector<128x128xf32>
    %mul3A_661 = arith.mulf %add3A_658, %mul3A_660 : vector<128x128xf32>
    %mul3A_662 = arith.constant 0.707106769 : f32
    %mul3A_663 = vector.broadcast %mul3A_662 : f32 to vector<128x128xf32>
    %mul3A_664 = arith.mulf %add3A_658, %mul3A_663 : vector<128x128xf32>
    %erf3A_665 = math.erf %mul3A_664 : vector<128x128xf32>
    %add3A_666 = arith.constant 1.000000e+00 : f32
    %add3A_667 = vector.broadcast %add3A_666 : f32 to vector<128x128xf32>
    %add3A_668 = arith.addf %add3A_667, %erf3A_665 : vector<128x128xf32>
    %mul3A_669 = arith.mulf %mul3A_661, %add3A_668 : vector<128x128xf32>
    %slice3A_670 = vector.extract_strided_slice %mul3A_669 {offsets = [0, 0], sizes = [64, 128], strides = [1, 1]} : vector<128x128xf32> to vector<64x128xf32>
    %swap3A_671 = arith.constant 42 : index
    %swap3A_672 = arith.constant 0 : index
    %swap3A_673 = arith.constant 0 : index
    %swap3A_674 = vector.load %arg4[%swap3A_671, %swap3A_672, %swap3A_673] : memref<50x64x128xf32, #tpu.memory_space<vmem>>, vector<1x64x128xf32>
    %swap3A_675 = vector.shape_cast %swap3A_674 : vector<1x64x128xf32> to vector<64x128xf32>
    %swap3A_676 = vector.shape_cast %slice3A_670 : vector<64x128xf32> to vector<1x64x128xf32>
    tpu.vector_store %arg4[%swap3A_671, %swap3A_672, %swap3A_673], %swap3A_676 {strides = array<i32>} : memref<50x64x128xf32, #tpu.memory_space<vmem>>, vector<1x64x128xf32>,
    %slice3A_677 = vector.extract_strided_slice %mul3A_669 {offsets = [64, 0], sizes = [64, 128], strides = [1, 1]} : vector<128x128xf32> to vector<64x128xf32>
    %swap3A_678 = arith.constant 43 : index
    %swap3A_679 = arith.constant 0 : index
    %swap3A_680 = arith.constant 0 : index
    %swap3A_681 = vector.load %arg4[%swap3A_678, %swap3A_679, %swap3A_680] : memref<50x64x128xf32, #tpu.memory_space<vmem>>, vector<1x64x128xf32>
    %swap3A_682 = vector.shape_cast %swap3A_681 : vector<1x64x128xf32> to vector<64x128xf32>
    %swap3A_683 = vector.shape_cast %slice3A_677 : vector<64x128xf32> to vector<1x64x128xf32>
    tpu.vector_store %arg4[%swap3A_678, %swap3A_679, %swap3A_680], %swap3A_683 {strides = array<i32>} : memref<50x64x128xf32, #tpu.memory_space<vmem>>, vector<1x64x128xf32>,
    %slice3A_684 = vector.extract_strided_slice %get3A_2 {offsets = [0, 22, 0], sizes = [128, 1, 128], strides = [1, 1, 1]} : vector<128x32x128xf32> to vector<128x1x128xf32>
    %squeeze3A_685 = vector.shape_cast %slice3A_684 : vector<128x1x128xf32> to vector<128x128xf32>
    %dot_general3A_686 = arith.constant dense<0.000000e+00> : vector<128x128xf32>
    %dot_general3A_687 = tpu.matmul %get3A_5, %squeeze3A_685, %dot_general3A_686 {dimension_numbers = #tpu.dot_dimension_numbers<[1], [1], [0], [0], [0, 0, 1, 0], [], []>, transpose_lhs_hint = false} : vector<128x128xf32>, vector<128x128xf32>, vector<128x128xf32> -> vector<128x128xf32>
    %add3A_688 = vector.broadcast %get3A_8 : vector<128x1xf32> to vector<128x128xf32>
    %add3A_689 = arith.addf %dot_general3A_687, %add3A_688 : vector<128x128xf32>
    %mul3A_690 = arith.constant 5.000000e-01 : f32
    %mul3A_691 = vector.broadcast %mul3A_690 : f32 to vector<128x128xf32>
    %mul3A_692 = arith.mulf %add3A_689, %mul3A_691 : vector<128x128xf32>
    %mul3A_693 = arith.constant 0.707106769 : f32
    %mul3A_694 = vector.broadcast %mul3A_693 : f32 to vector<128x128xf32>
    %mul3A_695 = arith.mulf %add3A_689, %mul3A_694 : vector<128x128xf32>
    %erf3A_696 = math.erf %mul3A_695 : vector<128x128xf32>
    %add3A_697 = arith.constant 1.000000e+00 : f32
    %add3A_698 = vector.broadcast %add3A_697 : f32 to vector<128x128xf32>
    %add3A_699 = arith.addf %add3A_698, %erf3A_696 : vector<128x128xf32>
    %mul3A_700 = arith.mulf %mul3A_692, %add3A_699 : vector<128x128xf32>
    %slice3A_701 = vector.extract_strided_slice %mul3A_700 {offsets = [0, 0], sizes = [64, 128], strides = [1, 1]} : vector<128x128xf32> to vector<64x128xf32>
    %swap3A_702 = arith.constant 44 : index
    %swap3A_703 = arith.constant 0 : index
    %swap3A_704 = arith.constant 0 : index
    %swap3A_705 = vector.load %arg4[%swap3A_702, %swap3A_703, %swap3A_704] : memref<50x64x128xf32, #tpu.memory_space<vmem>>, vector<1x64x128xf32>
    %swap3A_706 = vector.shape_cast %swap3A_705 : vector<1x64x128xf32> to vector<64x128xf32>
    %swap3A_707 = vector.shape_cast %slice3A_701 : vector<64x128xf32> to vector<1x64x128xf32>
    tpu.vector_store %arg4[%swap3A_702, %swap3A_703, %swap3A_704], %swap3A_707 {strides = array<i32>} : memref<50x64x128xf32, #tpu.memory_space<vmem>>, vector<1x64x128xf32>,
    %slice3A_708 = vector.extract_strided_slice %mul3A_700 {offsets = [64, 0], sizes = [64, 128], strides = [1, 1]} : vector<128x128xf32> to vector<64x128xf32>
    %swap3A_709 = arith.constant 45 : index
    %swap3A_710 = arith.constant 0 : index
    %swap3A_711 = arith.constant 0 : index
    %swap3A_712 = vector.load %arg4[%swap3A_709, %swap3A_710, %swap3A_711] : memref<50x64x128xf32, #tpu.memory_space<vmem>>, vector<1x64x128xf32>
    %swap3A_713 = vector.shape_cast %swap3A_712 : vector<1x64x128xf32> to vector<64x128xf32>
    %swap3A_714 = vector.shape_cast %slice3A_708 : vector<64x128xf32> to vector<1x64x128xf32>
    tpu.vector_store %arg4[%swap3A_709, %swap3A_710, %swap3A_711], %swap3A_714 {strides = array<i32>} : memref<50x64x128xf32, #tpu.memory_space<vmem>>, vector<1x64x128xf32>,
    %slice3A_715 = vector.extract_strided_slice %get3A_2 {offsets = [0, 23, 0], sizes = [128, 1, 128], strides = [1, 1, 1]} : vector<128x32x128xf32> to vector<128x1x128xf32>
    %squeeze3A_716 = vector.shape_cast %slice3A_715 : vector<128x1x128xf32> to vector<128x128xf32>
    %dot_general3A_717 = arith.constant dense<0.000000e+00> : vector<128x128xf32>
    %dot_general3A_718 = tpu.matmul %get3A_5, %squeeze3A_716, %dot_general3A_717 {dimension_numbers = #tpu.dot_dimension_numbers<[1], [1], [0], [0], [0, 0, 1, 0], [], []>, transpose_lhs_hint = false} : vector<128x128xf32>, vector<128x128xf32>, vector<128x128xf32> -> vector<128x128xf32>
    %add3A_719 = vector.broadcast %get3A_8 : vector<128x1xf32> to vector<128x128xf32>
    %add3A_720 = arith.addf %dot_general3A_718, %add3A_719 : vector<128x128xf32>
    %mul3A_721 = arith.constant 5.000000e-01 : f32
    %mul3A_722 = vector.broadcast %mul3A_721 : f32 to vector<128x128xf32>
    %mul3A_723 = arith.mulf %add3A_720, %mul3A_722 : vector<128x128xf32>
    %mul3A_724 = arith.constant 0.707106769 : f32
    %mul3A_725 = vector.broadcast %mul3A_724 : f32 to vector<128x128xf32>
    %mul3A_726 = arith.mulf %add3A_720, %mul3A_725 : vector<128x128xf32>
    %erf3A_727 = math.erf %mul3A_726 : vector<128x128xf32>
    %add3A_728 = arith.constant 1.000000e+00 : f32
    %add3A_729 = vector.broadcast %add3A_728 : f32 to vector<128x128xf32>
    %add3A_730 = arith.addf %add3A_729, %erf3A_727 : vector<128x128xf32>
    %mul3A_731 = arith.mulf %mul3A_723, %add3A_730 : vector<128x128xf32>
    %slice3A_732 = vector.extract_strided_slice %mul3A_731 {offsets = [0, 0], sizes = [64, 128], strides = [1, 1]} : vector<128x128xf32> to vector<64x128xf32>
    %swap3A_733 = arith.constant 46 : index
    %swap3A_734 = arith.constant 0 : index
    %swap3A_735 = arith.constant 0 : index
    %swap3A_736 = vector.load %arg4[%swap3A_733, %swap3A_734, %swap3A_735] : memref<50x64x128xf32, #tpu.memory_space<vmem>>, vector<1x64x128xf32>
    %swap3A_737 = vector.shape_cast %swap3A_736 : vector<1x64x128xf32> to vector<64x128xf32>
    %swap3A_738 = vector.shape_cast %slice3A_732 : vector<64x128xf32> to vector<1x64x128xf32>
    tpu.vector_store %arg4[%swap3A_733, %swap3A_734, %swap3A_735], %swap3A_738 {strides = array<i32>} : memref<50x64x128xf32, #tpu.memory_space<vmem>>, vector<1x64x128xf32>,
    %slice3A_739 = vector.extract_strided_slice %mul3A_731 {offsets = [64, 0], sizes = [64, 128], strides = [1, 1]} : vector<128x128xf32> to vector<64x128xf32>
    %swap3A_740 = arith.constant 47 : index
    %swap3A_741 = arith.constant 0 : index
    %swap3A_742 = arith.constant 0 : index
    %swap3A_743 = vector.load %arg4[%swap3A_740, %swap3A_741, %swap3A_742] : memref<50x64x128xf32, #tpu.memory_space<vmem>>, vector<1x64x128xf32>
    %swap3A_744 = vector.shape_cast %swap3A_743 : vector<1x64x128xf32> to vector<64x128xf32>
    %swap3A_745 = vector.shape_cast %slice3A_739 : vector<64x128xf32> to vector<1x64x128xf32>
    tpu.vector_store %arg4[%swap3A_740, %swap3A_741, %swap3A_742], %swap3A_745 {strides = array<i32>} : memref<50x64x128xf32, #tpu.memory_space<vmem>>, vector<1x64x128xf32>,
    %slice3A_746 = vector.extract_strided_slice %get3A_2 {offsets = [0, 24, 0], sizes = [128, 1, 128], strides = [1, 1, 1]} : vector<128x32x128xf32> to vector<128x1x128xf32>
    %squeeze3A_747 = vector.shape_cast %slice3A_746 : vector<128x1x128xf32> to vector<128x128xf32>
    %dot_general3A_748 = arith.constant dense<0.000000e+00> : vector<128x128xf32>
    %dot_general3A_749 = tpu.matmul %get3A_5, %squeeze3A_747, %dot_general3A_748 {dimension_numbers = #tpu.dot_dimension_numbers<[1], [1], [0], [0], [0, 0, 1, 0], [], []>, transpose_lhs_hint = false} : vector<128x128xf32>, vector<128x128xf32>, vector<128x128xf32> -> vector<128x128xf32>
    %add3A_750 = vector.broadcast %get3A_8 : vector<128x1xf32> to vector<128x128xf32>
    %add3A_751 = arith.addf %dot_general3A_749, %add3A_750 : vector<128x128xf32>
    %mul3A_752 = arith.constant 5.000000e-01 : f32
    %mul3A_753 = vector.broadcast %mul3A_752 : f32 to vector<128x128xf32>
    %mul3A_754 = arith.mulf %add3A_751, %mul3A_753 : vector<128x128xf32>
    %mul3A_755 = arith.constant 0.707106769 : f32
    %mul3A_756 = vector.broadcast %mul3A_755 : f32 to vector<128x128xf32>
    %mul3A_757 = arith.mulf %add3A_751, %mul3A_756 : vector<128x128xf32>
    %erf3A_758 = math.erf %mul3A_757 : vector<128x128xf32>
    %add3A_759 = arith.constant 1.000000e+00 : f32
    %add3A_760 = vector.broadcast %add3A_759 : f32 to vector<128x128xf32>
    %add3A_761 = arith.addf %add3A_760, %erf3A_758 : vector<128x128xf32>
    %mul3A_762 = arith.mulf %mul3A_754, %add3A_761 : vector<128x128xf32>
    %slice3A_763 = vector.extract_strided_slice %mul3A_762 {offsets = [0, 0], sizes = [64, 128], strides = [1, 1]} : vector<128x128xf32> to vector<64x128xf32>
    %swap3A_764 = arith.constant 48 : index
    %swap3A_765 = arith.constant 0 : index
    %swap3A_766 = arith.constant 0 : index
    %swap3A_767 = vector.load %arg4[%swap3A_764, %swap3A_765, %swap3A_766] : memref<50x64x128xf32, #tpu.memory_space<vmem>>, vector<1x64x128xf32>
    %swap3A_768 = vector.shape_cast %swap3A_767 : vector<1x64x128xf32> to vector<64x128xf32>
    %swap3A_769 = vector.shape_cast %slice3A_763 : vector<64x128xf32> to vector<1x64x128xf32>
    tpu.vector_store %arg4[%swap3A_764, %swap3A_765, %swap3A_766], %swap3A_769 {strides = array<i32>} : memref<50x64x128xf32, #tpu.memory_space<vmem>>, vector<1x64x128xf32>,
    %slice3A_770 = vector.extract_strided_slice %mul3A_762 {offsets = [64, 0], sizes = [64, 128], strides = [1, 1]} : vector<128x128xf32> to vector<64x128xf32>
    %swap3A_771 = arith.constant 49 : index
    %swap3A_772 = arith.constant 0 : index
    %swap3A_773 = arith.constant 0 : index
    %swap3A_774 = vector.load %arg4[%swap3A_771, %swap3A_772, %swap3A_773] : memref<50x64x128xf32, #tpu.memory_space<vmem>>, vector<1x64x128xf32>
    %swap3A_775 = vector.shape_cast %swap3A_774 : vector<1x64x128xf32> to vector<64x128xf32>
    %swap3A_776 = vector.shape_cast %slice3A_770 : vector<64x128xf32> to vector<1x64x128xf32>
    tpu.vector_store %arg4[%swap3A_771, %swap3A_772, %swap3A_773], %swap3A_776 {strides = array<i32>} : memref<50x64x128xf32, #tpu.memory_space<vmem>>, vector<1x64x128xf32>,
    return
  }
  func.func @transform_0(%arg0: i32) -> (i32, i32, i32) {
    %c0_i32 = arith.constant 0 : i32
    %c0_i32_0 = arith.constant 0 : i32
    %c0_i32_1 = arith.constant 0 : i32
    return %arg0, %c0_i32, %c0_i32_0 : i32, i32, i32
  }
  func.func @transform_1(%arg0: i32) -> (i32, i32) {
    %c0_i32 = arith.constant 0 : i32
    %c0_i32_0 = arith.constant 0 : i32
    %c0_i32_1 = arith.constant 0 : i32
    return %c0_i32, %c0_i32_0 : i32, i32
  }
  func.func @transform_2(%arg0: i32) -> (i32, i32) {
    %c0_i32 = arith.constant 0 : i32
    %c0_i32_0 = arith.constant 0 : i32
    %c0_i32_1 = arith.constant 0 : i32
    return %c0_i32, %c0_i32_0 : i32, i32
  }
  func.func @transform_3(%arg0: i32) -> (i32, i32, i32) {
    %c0_i32 = arith.constant 0 : i32
    %c0_i32_0 = arith.constant 0 : i32
    %c0_i32_1 = arith.constant 0 : i32
    return %c0_i32, %c0_i32_0, %arg0 : i32, i32, i32
  }
}

</mosaic_0001>

<sc_bundles>
// kernel: kernel.6.cloned.1.call-start
scs
__scs_entry_jumppad:
0x0: {  	(pc) =	sbr.rel $0x88, $3  }
0x1: {  	(tag) =	ssettag $0x0;
	lr =	simm.s32 $0x1  }
0x2: {  	[smem:$0x3F9D] =	sst lr;
	_ =	strace $0xD0000000  }
0x3: {  	_ = 	snop  }
0x4: {  	_ = 	snop  }
0x5: {  	_ = 	snop  }
0x6: {  	_ = 	snop  }
0x7: {  	_ = 	snop  }
__scs_overlays_trampoline_lowered:
0x8: {  	[smem:$0x3FAC] =	sst s0  }
0x9: {  	[smem:$0x3FAD] =	sst s1  }
0xa: {  	[smem:$0x3FAE] =	sst s2  }
0xb: {  	[smem:$0x3FAF] =	sst s3  }
0xc: {  	[smem:$0x3FB0] =	sst s4  }
0xd: {  	[smem:$0x3FB1] =	sst s5  }
0xe: {  	[smem:$0x3FB2] =	sst s6  }
0xf: {  	[smem:$0x3FB3] =	sst s7  }
0x10: {  	[smem:$0x3FB4] =	sst s8  }
0x11: {  	[smem:$0x3FB5] =	sst s9;
	s0 =	simm.s32 @!p0 $0x0  }
0x12: {  	s1 =	sld [smem:$0x3F9B];
	s0 =	simm.s32 @p0 $0x1  }
0x13: {  	[smem:$0x3FB6] =	sst s0;
	s0 =	simm.s32 @!p1 $0x0  }
0x14: {  	s2 =	sld [smem:$0x3F9A];
	s0 =	simm.s32 @p1 $0x1  }
0x15: {  	[smem:$0x3FB7] =	sst s0;
	s0 =	simm.s32 @!p2 $0x0  }
0x16: {  	s3 =	sld [smem:$0x3FDB];
	s0 =	simm.s32 @p2 $0x1  }
0x17: {  	s4 =	simm.s32 $0x1BF5;
	[smem:$0x3FB9] =	sst s0  }
0x18: {  	s0 =	sld [smem:$0x3F9C];
	_ =	swait.ge [sflag:s4], $0x0  }
0x19: {  	s7 =	sld [smem:$0x3F9D]  }
0x1a: {  	s8 =	sadd.s32 $0xFFFFE003, lr  }
0x1b: {  	s9 =	sadd.s32 $0xFFFFFEF7, lr;
	s5 =	simm.s32 $0xFFFFFFFF;
	p2 =	slt.u32 s8, $0xFFFFF086  }
0x1c: {  	p1 =	slt.u32 s9, $0xF7A;
	s5 =	simm.s32 @!p2 $0x0  }
0x1d: {  	s5 =	simm.s32 @p1 $0x1;
	p0 =	seq.s32 s7, s2  }
0x1e: {  	s7 =	smul.u32 @!p0 $0xF7A, s2;
	p2 =	seq.s32 @!p0 s5, $0x0  }
0x1f: {  	s9 =	smul.u32 $0xF7A, s1;
	s8 =	simm.s32 @!p0 $0x1BF5;
	p2 =	por !p2, p0  }
0x20: {  	[sflag:s8] =	ssyncset.s32 @!p0 $0xFFFFF086;
	s6 =	sadd.s32 @!p0 s3, s7;
	s7 =	simm.s32 @!p0 $0x108  }
0x21: {  	s3 =	sadd.s32 s3, s9;
	s6 =	sadd.s32 @!p0 $0x88, s6;
	s7 =	simm.s32 @p2 $0x1082  }
0x22: {  	[simem:s7], [sflag:s8] =	dma.local @!p0 [hbm:s6], $0xF7A  }
0x23: {  	s9 =	sor.u32 $0xD0000000, s2;
	s6 =	simm.s32 $0x108;
	_ =	swait.ge @!p0 [sflag:s8], $0x0  }
0x24: {  	s3 =	sadd.s32 $0x88, s3;
	s6 =	simm.s32 @!p1 $0x1082;
	[sflag:s4] =	ssyncset.s32 $0xFFFFF086  }
0x25: {  	[simem:s6], [sflag:s4] =	dma.local [hbm:s3], $0xF7A  }
0x26: {  	[smem:$0x3F9D] =	sst s1;
	(tag) =	ssettag s2;
	_ =	strace s9  }
0x27: {  	s1 =	sld [smem:$0x3FAD]  }
0x28: {  	s2 =	sld [smem:$0x3FAE]  }
0x29: {  	s4 =	sld [smem:$0x3FB0]  }
0x2a: {  	p0 =	seq.s32 s5, $0x0;
	s5 =	sld [smem:$0x3FB1]  }
0x2b: {  	s6 =	sld [smem:$0x3FB2]  }
0x2c: {  	s7 =	sld [smem:$0x3FB3]  }
0x2d: {  	s3 =	simm.s32 $0x108;
	s8 =	sld [smem:$0x3FB4]  }
0x2e: {  	s3 =	simm.s32 @!p0 $0x1082;
	s9 =	sld [smem:$0x3FB5]  }
0x2f: {  	lr =	sadd.s32 s0, s3;
	s0 =	sld [smem:$0x3FAC]  }
0x30: {  	s3 =	sld [smem:$0x3FAF]  }
0x31: {  	[smem:$0x3FB8] =	sst s10  }
0x32: {  	s10 =	sld [smem:$0x3FB6];
	_ =	sdelay $0x3  }
0x33: {  	p0 =	seq.s32 s10, $0x1;
	s10 =	sld [smem:$0x3FB8];
	_ =	sdelay $0x3  }
0x34: {  	[smem:$0x3FB8] =	sst s10  }
0x35: {  	s10 =	sld [smem:$0x3FB7];
	_ =	sdelay $0x3  }
0x36: {  	p1 =	seq.s32 s10, $0x1;
	s10 =	sld [smem:$0x3FB8];
	_ =	sdelay $0x3  }
0x37: {  	[smem:$0x3FB8] =	sst s10  }
0x38: {  	s10 =	sld [smem:$0x3FB9]  }
0x39: {  	_ = 	snop;
	(pc) =	sbr.ind lr, $3  }
0x3a: {  	_ = 	snop  }
0x3b: {  	_ = 	snop  }
0x3c: {  	p2 =	seq.s32 s10, $0x1;
	s10 =	sld [smem:$0x3FB8]  }
0x3d: {  	_ =	shalt  }
0x3e: {  	_ =	shalt  }
0x3f: {  	_ =	shalt  }
0x40: {  	_ =	shalt  }
0x41: {  	_ =	shalt  }
0x42: {  	_ =	shalt  }
0x43: {  	_ =	shalt  }
0x44: {  	_ =	shalt  }
0x45: {  	_ =	shalt  }
0x46: {  	_ =	shalt  }
0x47: {  	_ =	shalt  }
0x48: {  	_ =	shalt  }
0x49: {  	_ =	shalt  }
0x4a: {  	_ =	shalt  }
0x4b: {  	_ =	shalt  }
0x4c: {  	_ =	shalt  }
0x4d: {  	_ =	shalt  }
0x4e: {  	_ =	shalt  }
0x4f: {  	_ =	shalt  }
0x50: {  	_ =	shalt  }
0x51: {  	_ =	shalt  }
0x52: {  	_ =	shalt  }
0x53: {  	_ =	shalt  }
0x54: {  	_ =	shalt  }
0x55: {  	_ =	shalt  }
0x56: {  	_ =	shalt  }
0x57: {  	_ =	shalt  }
0x58: {  	_ =	shalt  }
0x59: {  	_ =	shalt  }
0x5a: {  	_ =	shalt  }
0x5b: {  	_ =	shalt  }
0x5c: {  	_ =	shalt  }
0x5d: {  	_ =	shalt  }
0x5e: {  	_ =	shalt  }
0x5f: {  	_ =	shalt  }
0x60: {  	_ =	shalt  }
0x61: {  	_ =	shalt  }
0x62: {  	_ =	shalt  }
0x63: {  	_ =	shalt  }
0x64: {  	_ =	shalt  }
0x65: {  	_ =	shalt  }
0x66: {  	_ =	shalt  }
0x67: {  	_ =	shalt  }
0x68: {  	_ =	shalt  }
0x69: {  	_ =	shalt  }
0x6a: {  	_ =	shalt  }
0x6b: {  	_ =	shalt  }
0x6c: {  	_ =	shalt  }
0x6d: {  	_ =	shalt  }
0x6e: {  	_ =	shalt  }
0x6f: {  	_ =	shalt  }
0x70: {  	_ =	shalt  }
0x71: {  	_ =	shalt  }
0x72: {  	_ =	shalt  }
0x73: {  	_ =	shalt  }
0x74: {  	_ =	shalt  }
0x75: {  	_ =	shalt  }
0x76: {  	_ =	shalt  }
0x77: {  	_ =	shalt  }
0x78: {  	_ =	shalt  }
0x79: {  	_ =	shalt  }
0x7a: {  	_ =	shalt  }
0x7b: {  	_ =	shalt  }
0x7c: {  	_ =	shalt  }
0x7d: {  	_ =	shalt  }
0x7e: {  	_ =	shalt  }
0x7f: {  	_ =	shalt  }
0x80: {  	_ =	shalt  }
0x81: {  	_ =	shalt  }
0x82: {  	_ =	shalt  }
0x83: {  	_ =	shalt  }
0x84: {  	_ =	shalt  }
0x85: {  	_ =	shalt  }
0x86: {  	_ =	shalt  }
0x87: {  	_ =	shalt  }
.Lfunc_end0:
.L_simem_size_0:
called_computation_lowered:
.L_overlay_start_0:
0x88: {  	s2 =	sld [smem:$0x3FD9]  }
0x89: {  	s3 =	sld [smem:$0x3FFE];
	_ =	sdelay $0x1  }
0x8a: {  	s1 =	srdreg.scid  }
0x8b: {  	s0 =	sand.u32 $0x1, s1  }
0x8c: {  	s17 =	sshll.u32 s0, $0xA;
	s2 =	sadd.s32 s3, s2  }
0x8d: {  	s2 =	sadd.s32 s2, s17  }
0x8e: {  	[smem:$0x3FC4] =	sst s2  }
0x8f: {  	_ = 	snop  }
0x90: {  	s2 =	sld [smem:$0x3FD0];
	(tm) =	ssettm $0x1  }
0x91: {  	s18 =	sld [smem:$0x3FFB];
	_ =	sdelay $0x3  }
0x92: {  	_ =	strace s18  }
0x93: {  	s3 =	sld [smem:$0x3FFC];
	_ =	sdelay $0x3  }
0x94: {  	_ =	strace s3  }
0x95: {  	s3 =	sld [smem:$0x3FFD];
	_ =	sdelay $0x3  }
0x96: {  	_ =	strace s3  }
0x97: {  	_ =	strace $0x8FFFFFFF  }
0x98: {  	s19 =	sld [smem:$0x3FDB];
	_ =	sdelay $0x1  }
0x99: {  	s4 =	simm.s32 $_scs_section_size  }
0x9a: {  	s5 =	simm.s32 $_size__tile_overlayer_lowered;
	s6 =	simm.s32 $_tile_overlayer_lowered  }
0x9b: {  	s22 =	simm.s32 $0x1BFF;
	s21 =	sshll.u32 s6, $0x1;
	s3 =	sadd.s32 s4, s19  }
0x9c: {  	s7 =	simm.s32 $0x0;
	s20 =	sshll.u32 s5, $0x1;
	s5 =	sadd.s32 s21, s3  }
0x9d: {  	[timem:s7], [sflag:s22] =	dma.local [hbm:s5], s20  }
0x9e: {  	_ =	swait.ge [sflag:s22], s20  }
0x9f: {  	s4 =	ssub.s32 $0x0, s20;
	[sflag:s22] =	ssyncset.done $0x0  }
0xa0: {  	[sflag:s22] =	ssyncadd.s32 s4;
	_ =	sdelay $0x1  }
0xa1: {  	s23 =	simm.s32 $0x1B8B  }
0xa2: {  	_ =	swait.ge [sflag:s23], $0x1  }
0xa3: {  	[sflag:s23] =	ssyncset.done $0x0  }
0xa4: {  	s25 =	simm.s32 $0x1B8E;
	s24 =	sld [smem:$0x3FFE];
	[sflag:s23] =	ssyncadd.s32 $0xFFFFFFFF  }
0xa5: {  	s26 =	simm.s32 $execute0_lowered;
	[smem:$0x3FD2] =	sst s25  }
0xa6: {  	s5 =	sshll.u32 s26, $0x1;
	_ =	strace $0x80000046;
	[dreg:$0x1] =	wrdreg $0xFFFFFFFF  }
0xa7: {  	s28 =	simm.s32 $_size_execute0_lowered;
	s3 =	sadd.s32 s3, s5;
	[dreg:$0x0] =	wrdreg $0x0  }
0xa8: {  	s5 =	sshll.u32 s28, $0x1;
	[dreg:$0x2] =	wrdreg s3  }
0xa9: {  	[dreg:$0x3] =	wrdreg s5  }
0xaa: {  	[dreg:$0x4] =	wrdreg $0xC0  }
0xab: {  	_ =	task [dreg:s7], $0x5FFFF  }
0xac: {  	[dreg:$0x1] =	wrdreg $0xFFFFFFFF  }
0xad: {  	[dreg:$0x0] =	wrdreg $0x60  }
0xae: {  	[dreg:$0x2] =	wrdreg s24  }
0xaf: {  	[dreg:$0x3] =	wrdreg s2  }
0xb0: {  	[dreg:$0x4] =	wrdreg $0x9  }
0xb1: {  	_ =	task.clear_ibuf [dreg:s7], $0x5FFFF;
	_ =	strace $0x90000046  }
0xb2: {  	s29 =	simm.s32 $0x9;
	_ =	strace $0x80000048  }
0xb3: {  	_ =	swait.ge [sflag:s29], $0x1  }
0xb4: {  	[sflag:s29] =	ssyncadd.s32 $0xFFFFFFFF  }
0xb5: {  	_ =	strace $0x90000048  }
0xb6: {  	_ =	sfence  }
0xb7: {  	s30 =	sld [smem:$0x0];
	_ =	sdelay $0x2  }
0xb8: {  	s31 =	sshll.u32 s1, $0xD;
	s1 =	sshrl.u32 s1, $0x2  }
0xb9: {  	s3 =	sand.u32 $0x4000, s31;
	s1 =	sadd.s32 s1, s30  }
0xba: {  	s0 =	sor.u32 s3, s0;
	s1 =	sshll.u32 s1, $0x11  }
0xbb: {  	s0 =	sor.u32 s1, s0  }
0xbc: {  	s0 =	sadd.s32 $0x8F2B, s0  }
0xbd: {  	[sflag:s0] =	ssyncadd.remote.s32 $0x1  }
0xbe: {  	_ =	sfence.sel $0xFFFF  }
0xbf: {  	[dreg:$0x0] =	wrdreg $0xFFFFFFFF;
	(pc) =	sbr.abs _section_cstart, $3  }
0xc0: {  	[dreg:$0x1] =	wrdreg $0xFFFFFFFF  }
0xc1: {  	_ =	task.clear_ibuf [dreg:s7], $0x2FFFF;
	_ =	strace $0x9FFFFFFF  }
0xc2: {  	(tm) =	ssettm $0x7FFFFFFF  }
0xc3: {  	_ =	shalt  }
tec
execute0_lowered:
.L_overlay_start_1:
0x0: {  	(tag) =	ssettag $0x1  }
0x1: {  	s4 =	rddreg [dreg:$0x0]  }
0x2: {  	s5 =	rddreg [dreg:$0x1]  }
0x3: {  	s0 =	rddreg [dreg:$0x2];
	s2 =	simm.s32 $0x0;
	s3 =	srdreg.scid  }
0x4: {  	s1 =	stileid.u32;
	s11 =	simm.s32 $0x12000;
	s12 =	simm.s32 $0x13000  }
0x5: {  	s13 =	simm.s32 $0x14000;
	s14 =	simm.s32 $0x15000;
	s15 =	simm.s32 $0x16000  }
0x6: {  	s16 =	simm.s32 $0x17000;
	s17 =	simm.s32 $0x1;
	s18 =	simm.s32 $0x0  }
0x7: {  	[smem:$0x7FF] =	sst s2;
	s6 =	sand.u32 $0x1, s3;
	s7 =	sshll.u32 s1, $0x13  }
0x8: {  	s3 =	sadd.s32 $0xA00, s4;
	s9 =	sshll.u32 s1, $0xE;
	_ =	strace $0x80000047  }
0x9: {  	s8 =	ssub.s32 $0x2, s6;
	s4 =	sadd.s32 s7, s4;
	s10 =	sshll.u32 s6, $0xD  }
0xa: {  	s6 =	sshll.u32 s6, $0x12;
	s30 =	sshrl.u32 s8, $0x1;
	s31 =	sor.u32 s10, s9  }
0xb: {  	s6 =	sadd.s32 s6, s4;
	s9 =	simm.s32 $0x10000;
	s10 =	simm.s32 $0x11000  }
0xc: {  	s7 =	ssub.s32 s8, s30;
	s4 =	sadd.s32 s5, s31;
	s6 =	sadd.s32 $0xF50A00, s6  }
0xd: {  	s8 =	simm.s32 $0x40;
	s5 =	smax.u32 s7, $0x1;
	s7 =	simm.s32 $0x2  }
.LBB2_1:
0xe: {  	[tilespmem:s2], [sflag:$0x2] =	stream.linear.gather [hbm4b:s4+s2], $0x10000, $0x38;
	[tilespmem:$0x18000] =	vst v63  }
0xf: {  	_ =	swait.ge [sflag:s7], $0x10000  }
0x10: {  	[sflag:s7] =	ssyncset.done $0x0  }
0x11: {  	s19 =	simm.s32 $0x0;
	[sflag:s7] =	ssyncadd.s32 $0xFFFF0000  }
0x12: {  	[tilespmem:s9], [sflag:$0x1] =	stream.indirect.gather [hbm4b:s3+s8], $0x40, s19, s8, $0xb8;
	[tilespmem:$0x18000] =	vst v63  }
0x13: {  	s23 =	simm.s32 $0x80  }
0x14: {  	[tilespmem:s10], [sflag:$0x1] =	stream.indirect.gather [hbm4b:s3+s8], $0x40, s23, s8, $0xb8;
	[tilespmem:$0x18000] =	vst v63  }
0x15: {  	s24 =	simm.s32 $0x100  }
0x16: {  	[tilespmem:s11], [sflag:$0x1] =	stream.indirect.gather [hbm4b:s3+s8], $0x40, s24, s8, $0xb8;
	[tilespmem:$0x18000] =	vst v63  }
0x17: {  	s25 =	simm.s32 $0x180  }
0x18: {  	[tilespmem:s12], [sflag:$0x1] =	stream.indirect.gather [hbm4b:s3+s8], $0x40, s25, s8, $0xb8;
	[tilespmem:$0x18000] =	vst v63  }
0x19: {  	s26 =	simm.s32 $0x200  }
0x1a: {  	[tilespmem:s13], [sflag:$0x1] =	stream.indirect.gather [hbm4b:s3+s8], $0x40, s26, s8, $0xb8;
	[tilespmem:$0x18000] =	vst v63  }
0x1b: {  	s28 =	simm.s32 $0x280  }
0x1c: {  	[tilespmem:s14], [sflag:$0x1] =	stream.indirect.gather [hbm4b:s3+s8], $0x40, s28, s8, $0xb8;
	[tilespmem:$0x18000] =	vst v63  }
0x1d: {  	s29 =	simm.s32 $0x300  }
0x1e: {  	[tilespmem:s15], [sflag:$0x1] =	stream.indirect.gather [hbm4b:s3+s8], $0x40, s29, s8, $0xb8;
	[tilespmem:$0x18000] =	vst v63  }
0x1f: {  	s30 =	simm.s32 $0x380  }
0x20: {  	[tilespmem:s16], [sflag:$0x1] =	stream.indirect.gather [hbm4b:s3+s8], $0x40, s30, s8, $0xb8;
	[tilespmem:$0x18000] =	vst v63  }
0x21: {  	_ =	swait.ge [sflag:s17], $0x1000  }
0x22: {  	[sflag:s17] =	ssyncset.done $0x0  }
0x23: {  	[sflag:s17] =	ssyncadd.s32 $0xFFFFF000  }
0x24: {  	_ =	swait.ge [sflag:s17], $0x1000  }
0x25: {  	[sflag:s17] =	ssyncset.done $0x0  }
0x26: {  	[sflag:s17] =	ssyncadd.s32 $0xFFFFF000  }
0x27: {  	_ =	swait.ge [sflag:s17], $0x1000  }
0x28: {  	[sflag:s17] =	ssyncset.done $0x0  }
0x29: {  	[sflag:s17] =	ssyncadd.s32 $0xFFFFF000  }
0x2a: {  	_ =	swait.ge [sflag:s17], $0x1000  }
0x2b: {  	[sflag:s17] =	ssyncset.done $0x0  }
0x2c: {  	[sflag:s17] =	ssyncadd.s32 $0xFFFFF000  }
0x2d: {  	_ =	swait.ge [sflag:s17], $0x1000  }
0x2e: {  	[sflag:s17] =	ssyncset.done $0x0  }
0x2f: {  	[sflag:s17] =	ssyncadd.s32 $0xFFFFF000  }
0x30: {  	_ =	swait.ge [sflag:s17], $0x1000  }
0x31: {  	[sflag:s17] =	ssyncset.done $0x0  }
0x32: {  	[sflag:s17] =	ssyncadd.s32 $0xFFFFF000  }
0x33: {  	_ =	swait.ge [sflag:s17], $0x1000  }
0x34: {  	[sflag:s17] =	ssyncset.done $0x0  }
0x35: {  	[sflag:s17] =	ssyncadd.s32 $0xFFFFF000  }
0x36: {  	_ =	swait.ge [sflag:s17], $0x1000  }
0x37: {  	[sflag:s17] =	ssyncset.done $0x0  }
0x38: {  	s31 =	sadd.s32 $0x0, s6;
	[sflag:s17] =	ssyncadd.s32 $0xFFFFF000  }
0x39: {  	[hbm4b:s31+s2] =	stream.linear.scatter [tilespmem:s9], [sflag:$0x2], $0x8000, $0x38;
	[tilespmem:$0x18000] =	vst v63  }
0x3a: {  	_ =	swait.ge [sflag:s7], $0x8000  }
0x3b: {  	s22 =	simm.s32 $0x2000;
	s19 =	simm.s32 $0x1000;
	[sflag:s7] =	ssyncset.done $0x0  }
.LBB2_2:
0x3c: {  	s23 =	sshra.s32 s19, $0x2  }
0x3d: {  	[sflag:s7] =	ssyncadd.s32 $0xFFFF8000;
	s21 =	smov.u32 s22;
	s20 =	sadd.s32 $0x1000, s22  }
0x3e: {  	[tilespmem:s9], [sflag:$0x1] =	stream.indirect.gather [hbm4b:s3+s8], $0x40, s23, s8, $0xb8;
	[tilespmem:$0x18000] =	vst v63  }
0x3f: {  	p0 =	sne.s32 s22, $0x3F000;
	s22 =	sadd.s32 $0x80, s23  }
0x40: {  	[tilespmem:s10], [sflag:$0x1] =	stream.indirect.gather [hbm4b:s3+s8], $0x40, s22, s8, $0xb8;
	[tilespmem:$0x18000] =	vst v63  }
0x41: {  	s22 =	sadd.s32 $0x100, s23  }
0x42: {  	[tilespmem:s11], [sflag:$0x1] =	stream.indirect.gather [hbm4b:s3+s8], $0x40, s22, s8, $0xb8;
	[tilespmem:$0x18000] =	vst v63  }
0x43: {  	s22 =	sadd.s32 $0x180, s23  }
0x44: {  	[tilespmem:s12], [sflag:$0x1] =	stream.indirect.gather [hbm4b:s3+s8], $0x40, s22, s8, $0xb8;
	[tilespmem:$0x18000] =	vst v63  }
0x45: {  	s22 =	sadd.s32 $0x200, s23  }
0x46: {  	[tilespmem:s13], [sflag:$0x1] =	stream.indirect.gather [hbm4b:s3+s8], $0x40, s22, s8, $0xb8;
	[tilespmem:$0x18000] =	vst v63  }
0x47: {  	s22 =	sadd.s32 $0x280, s23  }
0x48: {  	[tilespmem:s14], [sflag:$0x1] =	stream.indirect.gather [hbm4b:s3+s8], $0x40, s22, s8, $0xb8;
	[tilespmem:$0x18000] =	vst v63  }
0x49: {  	s22 =	sadd.s32 $0x300, s23  }
0x4a: {  	[tilespmem:s15], [sflag:$0x1] =	stream.indirect.gather [hbm4b:s3+s8], $0x40, s22, s8, $0xb8;
	[tilespmem:$0x18000] =	vst v63  }
0x4b: {  	s22 =	sadd.s32 $0x380, s23  }
0x4c: {  	[tilespmem:s16], [sflag:$0x1] =	stream.indirect.gather [hbm4b:s3+s8], $0x40, s22, s8, $0xb8;
	[tilespmem:$0x18000] =	vst v63  }
0x4d: {  	_ =	swait.ge [sflag:s17], $0x1000  }
0x4e: {  	[sflag:s17] =	ssyncset.done $0x0  }
0x4f: {  	[sflag:s17] =	ssyncadd.s32 $0xFFFFF000  }
0x50: {  	_ =	swait.ge [sflag:s17], $0x1000  }
0x51: {  	[sflag:s17] =	ssyncset.done $0x0  }
0x52: {  	[sflag:s17] =	ssyncadd.s32 $0xFFFFF000  }
0x53: {  	_ =	swait.ge [sflag:s17], $0x1000  }
0x54: {  	[sflag:s17] =	ssyncset.done $0x0  }
0x55: {  	[sflag:s17] =	ssyncadd.s32 $0xFFFFF000  }
0x56: {  	_ =	swait.ge [sflag:s17], $0x1000  }
0x57: {  	[sflag:s17] =	ssyncset.done $0x0  }
0x58: {  	[sflag:s17] =	ssyncadd.s32 $0xFFFFF000  }
0x59: {  	_ =	swait.ge [sflag:s17], $0x1000  }
0x5a: {  	[sflag:s17] =	ssyncset.done $0x0  }
0x5b: {  	[sflag:s17] =	ssyncadd.s32 $0xFFFFF000  }
0x5c: {  	_ =	swait.ge [sflag:s17], $0x1000  }
0x5d: {  	[sflag:s17] =	ssyncset.done $0x0  }
0x5e: {  	[sflag:s17] =	ssyncadd.s32 $0xFFFFF000  }
0x5f: {  	_ =	swait.ge [sflag:s17], $0x1000  }
0x60: {  	[sflag:s17] =	ssyncset.done $0x0  }
0x61: {  	[sflag:s17] =	ssyncadd.s32 $0xFFFFF000  }
0x62: {  	_ =	swait.ge [sflag:s17], $0x1000  }
.Ltmp0:
0x63: {  	[sflag:s17] =	ssyncset.done $0x0;
	(pc) =	sbr.rel @p0 .LBB2_2-.Ltmp0, $4  }
0x64: {  	s22 =	sadd.s32 s19, s6;
	s19 =	smov.u32 s21;
	[sflag:s17] =	ssyncadd.s32 $0xFFFFF000  }
0x65: {  	[hbm4b:s22+s2] =	stream.linear.scatter [tilespmem:s9], [sflag:$0x2], $0x8000, $0x38;
	[tilespmem:$0x18000] =	vst v63  }
0x66: {  	_ =	swait.ge [sflag:s7], $0x8000  }
0x67: {  	s22 =	smov.u32 s20;
	[sflag:s7] =	ssyncset.done $0x0  }
0x68: {  	s20 =	sshra.s32 s19, $0x2;
	[sflag:s7] =	ssyncadd.s32 $0xFFFF8000  }
0x69: {  	[tilespmem:s9], [sflag:$0x1] =	stream.indirect.gather [hbm4b:s3+s8], $0x40, s20, s8, $0xb8;
	[tilespmem:$0x18000] =	vst v63  }
0x6a: {  	s21 =	sadd.s32 $0x80, s20  }
0x6b: {  	[tilespmem:s10], [sflag:$0x1] =	stream.indirect.gather [hbm4b:s3+s8], $0x40, s21, s8, $0xb8;
	[tilespmem:$0x18000] =	vst v63  }
0x6c: {  	s25 =	sadd.s32 $0x100, s20  }
0x6d: {  	[tilespmem:s11], [sflag:$0x1] =	stream.indirect.gather [hbm4b:s3+s8], $0x40, s25, s8, $0xb8;
	[tilespmem:$0x18000] =	vst v63  }
0x6e: {  	s26 =	sadd.s32 $0x180, s20  }
0x6f: {  	[tilespmem:s12], [sflag:$0x1] =	stream.indirect.gather [hbm4b:s3+s8], $0x40, s26, s8, $0xb8;
	[tilespmem:$0x18000] =	vst v63  }
0x70: {  	s28 =	sadd.s32 $0x200, s20  }
0x71: {  	[tilespmem:s13], [sflag:$0x1] =	stream.indirect.gather [hbm4b:s3+s8], $0x40, s28, s8, $0xb8;
	[tilespmem:$0x18000] =	vst v63  }
0x72: {  	s29 =	sadd.s32 $0x280, s20  }
0x73: {  	[tilespmem:s14], [sflag:$0x1] =	stream.indirect.gather [hbm4b:s3+s8], $0x40, s29, s8, $0xb8;
	[tilespmem:$0x18000] =	vst v63  }
0x74: {  	s30 =	sadd.s32 $0x300, s20  }
0x75: {  	[tilespmem:s15], [sflag:$0x1] =	stream.indirect.gather [hbm4b:s3+s8], $0x40, s30, s8, $0xb8;
	[tilespmem:$0x18000] =	vst v63  }
0x76: {  	s20 =	sadd.s32 $0x380, s20  }
0x77: {  	[tilespmem:s16], [sflag:$0x1] =	stream.indirect.gather [hbm4b:s3+s8], $0x40, s20, s8, $0xb8;
	[tilespmem:$0x18000] =	vst v63  }
0x78: {  	_ =	swait.ge [sflag:s17], $0x1000  }
0x79: {  	[sflag:s17] =	ssyncset.done $0x0  }
0x7a: {  	[sflag:s17] =	ssyncadd.s32 $0xFFFFF000  }
0x7b: {  	_ =	swait.ge [sflag:s17], $0x1000  }
0x7c: {  	[sflag:s17] =	ssyncset.done $0x0  }
0x7d: {  	[sflag:s17] =	ssyncadd.s32 $0xFFFFF000  }
0x7e: {  	_ =	swait.ge [sflag:s17], $0x1000  }
0x7f: {  	[sflag:s17] =	ssyncset.done $0x0  }
0x80: {  	[sflag:s17] =	ssyncadd.s32 $0xFFFFF000  }
0x81: {  	_ =	swait.ge [sflag:s17], $0x1000  }
0x82: {  	[sflag:s17] =	ssyncset.done $0x0  }
0x83: {  	[sflag:s17] =	ssyncadd.s32 $0xFFFFF000  }
0x84: {  	_ =	swait.ge [sflag:s17], $0x1000  }
0x85: {  	[sflag:s17] =	ssyncset.done $0x0  }
0x86: {  	[sflag:s17] =	ssyncadd.s32 $0xFFFFF000  }
0x87: {  	_ =	swait.ge [sflag:s17], $0x1000  }
0x88: {  	[sflag:s17] =	ssyncset.done $0x0  }
0x89: {  	[sflag:s17] =	ssyncadd.s32 $0xFFFFF000  }
0x8a: {  	_ =	swait.ge [sflag:s17], $0x1000  }
0x8b: {  	[sflag:s17] =	ssyncset.done $0x0  }
0x8c: {  	[sflag:s17] =	ssyncadd.s32 $0xFFFFF000  }
0x8d: {  	s18 =	sadd.s32 $0x1, s18;
	_ =	swait.ge [sflag:s17], $0x1000  }
0x8e: {  	p0 =	sne.s32 s18, s5;
	[sflag:s17] =	ssyncset.done $0x0  }
.Ltmp1:
0x8f: {  	s31 =	sadd.s32 s19, s6;
	[sflag:s17] =	ssyncadd.s32 $0xFFFFF000;
	(pc) =	sbr.rel @p0 .LBB2_1-.Ltmp1, $4  }
0x90: {  	[hbm4b:s31+s2] =	stream.linear.scatter [tilespmem:s9], [sflag:$0x2], $0x8000, $0x38;
	[tilespmem:$0x18000] =	vst v63  }
0x91: {  	_ =	swait.ge [sflag:s7], $0x8000  }
0x92: {  	[sflag:s7] =	ssyncset.done $0x0  }
0x93: {  	[sflag:s7] =	ssyncadd.s32 $0xFFFF8000  }
0x94: {  	_ =	sfence.sel $0x180000  }
0x95: {  	[bflag:$0x0] =	sbarrier.arrive $0xFFFF  }
0x96: {  	p0 =	sne.s32 s1, $0x0;
	_ =	strace $0x90000047  }
0x97: {  	s0 =	sadd.s32 @!p0 $0x100000, s0;
	[bflag:$0x2] =	sbarrier.arrive $0xFFFF  }
0x98: {  	[sflag:s0] =	ssyncadd.tile.s32 @!p0 $0x1;
	_ =	shalt  }
.Lfunc_end2:
_tile_overlayer_lowered:
.L_overlay_start_2:
0x99: {  	(tag) =	ssettag $0x2  }
0x9a: {  	s0 =	rddreg [dreg:$0x0];
	s2 =	stileid.u32  }
0x9b: {  	s1 =	rddreg [dreg:$0x1];
	p0 =	sne.s32 s2, $0x0  }
0x9c: {  	s3 =	rddreg [dreg:$0x2];
	[bflag:$0x3] =	sbarrier.arrive $0xFFFF;
	s2 =	simm.s32 @!p0 $0x1C02  }
0x9d: {  	[timem:s3], [sflag:s2] =	dma.local @!p0 [hbm:s0], s1  }
0x9e: {  	s0 =	simm.s32 @!p0 $0x2  }
0x9f: {  	_ =	swait.ge @!p0 [sflag:s0], s1  }
0xa0: {  	s1 =	ssub.s32 @!p0 $0x0, s1;
	[sflag:s0] =	ssyncset.done @!p0 $0x0  }
0xa1: {  	[sflag:s0] =	ssyncadd.s32 @!p0 s1  }
0xa2: {  	[bflag:$0x3] =	sbarrier.arrive $0xFFFF  }
0xa3: {  	_ =	shalt  }

</sc_bundles>
